<compile_context>
chip_gen: v7x
topology: tpu7x:2x2x1
jax: 0.10.2.dev20260603
libtpu: 0.0.44.dev20260713+nightly
codegen_flags: <defaults>
</compile_context>

<pallas_src>
import jax
import jax.numpy as jnp
from jax import lax
from jax.experimental import pallas as pl
from jax.experimental.pallas import tpu as pltpu
from jax.experimental.pallas import tpu_sc as plsc

N = 10000
E = 320000
D = 128

NC = 2
NS = 16
LANES = 16
NW = NC * NS
FPW = D // NW
PPW = FPW // 2
CH = 16000
NCHUNK = E // CH
GROUPS = CH // LANES
SHIFT = 14
MASK = (1 << SHIFT) - 1


def _pack_body(x_ref, o_ref):
    xb = x_ref[...].astype(jnp.bfloat16)
    u = lax.bitcast_convert_type(xb, jnp.uint16)
    lo = u[:, : D // 2].astype(jnp.uint32)
    hi = u[:, D // 2:].astype(jnp.uint32)
    word = lax.bitcast_convert_type(lo | (hi << 16), jnp.int32)
    o_ref[...] = word.T


def _pack(x):
    return pl.pallas_call(
        _pack_body,
        out_shape=jax.ShapeDtypeStruct((D // 2, N), jnp.int32),
    )(x)


def _proj_body(h_ref, w_ref, o_ref):
    o_ref[...] = lax.dot_general(
        h_ref[...], w_ref[...], (((0,), (0,)), ((), ())),
        preferred_element_type=jnp.float32)


def _proj(hiT, W):
    return pl.pallas_call(
        _proj_body,
        out_shape=jax.ShapeDtypeStruct((N, D), jnp.float32),
    )(hiT, W)


def _sc_body(xp_hbm, packed_hbm, vals_hbm, out_hbm,
             xcols, acc, pk_b, vals_b, semA, semB):
    w = lax.axis_index("s") * NC + lax.axis_index("c")

    poff = [jnp.full((LANES,), p * N, jnp.int32) for p in range(PPW)]
    coff = [jnp.full((LANES,), c * N, jnp.int32) for c in range(FPW)]
    sems = (semA, semB)

    def _start(ck, b, sem):
        off = ck * CH
        pltpu.async_copy(packed_hbm.at[pl.ds(off, CH)],
                         pk_b.at[pl.ds(b * CH, CH)], sem)
        pltpu.async_copy(vals_hbm.at[pl.ds(off, CH)],
                         vals_b.at[pl.ds(b * CH, CH)], sem)

    def _drain(b, sem):
        pltpu.make_async_copy(packed_hbm.at[pl.ds(0, CH)],
                              pk_b.at[pl.ds(b * CH, CH)], sem).wait()
        pltpu.make_async_copy(vals_hbm.at[pl.ds(0, CH)],
                              vals_b.at[pl.ds(b * CH, CH)], sem).wait()

    _start(0, 0, semA)
    _start(1, 1, semB)
    pltpu.sync_copy(xp_hbm.at[pl.ds(w * PPW * N, PPW * N)], xcols)

    zeros = jnp.zeros((LANES,), jnp.float32)

    @plsc.parallel_loop(0, FPW * N // LANES, unroll=8)
    def _zero(i):
        acc[pl.ds(i * LANES, LANES)] = zeros

    def pair_loop(p, carry):
        for b in range(2):
            ck = p * 2 + b
            sem = sems[b]
            _drain(b, sem)

            @plsc.parallel_loop(0, GROUPS, unroll=4)
            def _group(g):
                base = b * CH + g * LANES
                p16 = pk_b[pl.ds(base, LANES)]
                v16 = vals_b[pl.ds(base, LANES)]
                s16 = p16 & MASK
                d16 = lax.shift_right_logical(p16, SHIFT)
                for cp in range(PPW):
                    gw = plsc.load_gather(xcols, [s16 + poff[cp]])
                    f0 = plsc.bitcast(lax.shift_left(gw, 16), jnp.float32)
                    f1 = plsc.bitcast(gw & jnp.int32(-65536), jnp.float32)
                    plsc.addupdate_scatter(acc, [d16 + coff[cp]],
                                           v16 * f0)
                    plsc.addupdate_scatter(acc, [d16 + coff[cp + PPW]],
                                           v16 * f1)

            nxt = (ck + 2) - NCHUNK * ((ck + 2) // NCHUNK)
            _start(nxt, b, sem)
        return carry

    lax.fori_loop(0, NCHUNK // 2, pair_loop, 0)
    _drain(0, semA)
    _drain(1, semB)
    pltpu.sync_copy(acc.at[pl.ds(0, PPW * N)],
                    out_hbm.at[pl.ds(w * PPW * N, PPW * N)])
    pltpu.sync_copy(acc.at[pl.ds(PPW * N, PPW * N)],
                    out_hbm.at[pl.ds((D // 2 + w * PPW) * N, PPW * N)])


_sc_call = pl.kernel(
    _sc_body,
    out_type=jax.ShapeDtypeStruct((D * N,), jnp.float32),
    mesh=plsc.VectorSubcoreMesh(core_axis_name="c", subcore_axis_name="s",
                                num_cores=NC, num_subcores=NS),
    compiler_params=pltpu.CompilerParams(needs_layout_passes=False),
    scratch_types=[
        pltpu.VMEM((PPW * N,), jnp.int32),
        pltpu.VMEM((FPW * N,), jnp.float32),
        pltpu.VMEM((2 * CH,), jnp.int32),
        pltpu.VMEM((2 * CH,), jnp.float32),
        pltpu.SemaphoreType.DMA,
        pltpu.SemaphoreType.DMA,
    ],
)


def kernel(x, edge_index, adj_vals, W):
    xpT = _pack(x).reshape(-1)
    packed = (edge_index[0] << SHIFT) | edge_index[1]
    hiT = _sc_call(xpT, packed, adj_vals)
    return _proj(hiT.reshape(D, N), W)

# --- scband reference (transcript-rebuilt; emitter-appended) ---
"""Pipeline reference for scband-graph-convolution-22814866276940 (READ-ONLY COPY).

The authoritative reference and input builder live on the scoring server;
editing this copy changes nothing except your own understanding.
"""

import jax, jax.numpy as jnp
import numpy as np

N = 10000
E = 320000
D_IN = 128
D_OUT = 128

def setup_inputs(seed: int = 0) -> dict:
    key = jax.random.key(seed)
    k1, k2, k3, k4 = jax.random.split(key, 4)
    x = jax.random.normal(k1, (N, D_IN), dtype=jnp.float32)
    edge_index = jax.random.randint(k2, (2, E), 0, N, dtype=jnp.int32)
    adj_vals = jax.random.uniform(k3, (E,), dtype=jnp.float32)
    stdv = 1.0 / np.sqrt(D_OUT)
    W = jax.random.uniform(k4, (D_IN, D_OUT), minval=-stdv, maxval=stdv, dtype=jnp.float32)
    return {"x": x, "edge_index": edge_index, "adj_vals": adj_vals, "W": W}

def reference(x, edge_index, adj_vals, W):
    # torch.spmm(adj, input): hi[i] = sum_j adj[i, j] * x[j]
    # adj represented in COO form: edge_index[0]=row (dst), edge_index[1]=col (src), adj_vals=values
    dst = edge_index[0]
    src = edge_index[1]
    gathered = jnp.take(x, src, axis=0)            # [E, D_IN] gather (SparseCore)
    msgs = adj_vals[:, None] * gathered            # weighted messages
    hi = jax.ops.segment_sum(msgs, dst, num_segments=N)  # scatter-add [N, D_IN]
    # torch.mm(hi, weight)
    output = hi @ W                                # [N, D_OUT]
    return output

if __name__ == "__main__":
    import jax
    _d = setup_inputs()
    print(jax.jit(kernel)(*tuple(_d.values())))

</pallas_src>

<mosaic_0001>
#map = affine_map<(d0, d1) -> (0)>
module attributes {stable_mosaic.version = 14 : i64} {
  func.func @_sc_body(%arg0: i32, %arg1: i32, %arg2: memref<640000xi32, #tpu.memory_space<hbm>>, %arg3: memref<320000xi32, #tpu.memory_space<hbm>>, %arg4: memref<320000xf32, #tpu.memory_space<hbm>>, %arg5: memref<1280000xf32, #tpu.memory_space<hbm>>, %arg6: memref<20000xi32, #tpu.memory_space<vmem>>, %arg7: memref<40000xf32, #tpu.memory_space<vmem>>, %arg8: memref<32000xi32, #tpu.memory_space<vmem>>, %arg9: memref<32000xf32, #tpu.memory_space<vmem>>, %arg10: memref<!tpu.dma_semaphore, #tpu.memory_space<semaphore_mem>>, %arg11: memref<!tpu.dma_semaphore, #tpu.memory_space<semaphore_mem>>) attributes {dimension_semantics = [#tpu.dimension_semantics<core_parallel>, #tpu.dimension_semantics<subcore_parallel>], iteration_bounds = array<i64: 2, 16>, scalar_prefetch = 0 : i64, scratch_operands = 6 : i64, tpu.core_type = #tpu.core_type<sc_vector_subcore>, window_params = [{transform_indices = #map}, {transform_indices = #map}, {transform_indices = #map}, {transform_indices = #map}]} {
    %mul3A = arith.constant 2 : i32
    %mul3A_0 = arith.muli %arg1, %mul3A : i32
    %add3A = arith.addi %mul3A_0, %arg0 : i32
    %broadcast_in_dim3A = arith.constant 0 : i32
    %broadcast_in_dim3A_1 = vector.broadcast %broadcast_in_dim3A : i32 to vector<16xi32>
    %broadcast_in_dim3A_2 = arith.constant 10000 : i32
    %broadcast_in_dim3A_3 = vector.broadcast %broadcast_in_dim3A_2 : i32 to vector<16xi32>
    %broadcast_in_dim3A_4 = arith.constant 0 : i32
    %broadcast_in_dim3A_5 = vector.broadcast %broadcast_in_dim3A_4 : i32 to vector<16xi32>
    %broadcast_in_dim3A_6 = arith.constant 10000 : i32
    %broadcast_in_dim3A_7 = vector.broadcast %broadcast_in_dim3A_6 : i32 to vector<16xi32>
    %broadcast_in_dim3A_8 = arith.constant 20000 : i32
    %broadcast_in_dim3A_9 = vector.broadcast %broadcast_in_dim3A_8 : i32 to vector<16xi32>
    %broadcast_in_dim3A_10 = arith.constant 30000 : i32
    %broadcast_in_dim3A_11 = vector.broadcast %broadcast_in_dim3A_10 : i32 to vector<16xi32>
    %dma_start3A = arith.constant 0 : i32
    %dma_start3A_12 = tpu.memref_slice %arg8[%dma_start3A] : memref<32000xi32, #tpu.memory_space<vmem>> -> memref<16000xi32, #tpu.memory_space<vmem>>
    %dma_start3A_13 = arith.constant 0 : i32
    %dma_start3A_14 = tpu.memref_slice %arg3[%dma_start3A_13] : memref<320000xi32, #tpu.memory_space<hbm>> -> memref<16000xi32, #tpu.memory_space<hbm>>
    %dma_start3A_15 = arith.constant 0 : i32
    %dma_start3A_16 = tpu.memref_slice %arg8[%dma_start3A_15] : memref<32000xi32, #tpu.memory_space<vmem>> -> memref<16000xi32, #tpu.memory_space<vmem>>
    %dma_start3A_17 = arith.constant 0 : i32
    %dma_start3A_18 = tpu.memref_slice %arg3[%dma_start3A_17] : memref<320000xi32, #tpu.memory_space<hbm>> -> memref<16000xi32, #tpu.memory_space<hbm>>
    tpu.enqueue_dma source(%dma_start3A_18 : memref<16000xi32, #tpu.memory_space<hbm>>) target(%dma_start3A_16 : memref<16000xi32, #tpu.memory_space<vmem>>) target_semaphore(%arg10 : memref<!tpu.dma_semaphore, #tpu.memory_space<semaphore_mem>>)
    %dma_start3A_19 = arith.constant 0 : i32
    %dma_start3A_20 = tpu.memref_slice %arg9[%dma_start3A_19] : memref<32000xf32, #tpu.memory_space<vmem>> -> memref<16000xf32, #tpu.memory_space<vmem>>
    %dma_start3A_21 = arith.constant 0 : i32
    %dma_start3A_22 = tpu.memref_slice %arg4[%dma_start3A_21] : memref<320000xf32, #tpu.memory_space<hbm>> -> memref<16000xf32, #tpu.memory_space<hbm>>
    %dma_start3A_23 = arith.constant 0 : i32
    %dma_start3A_24 = tpu.memref_slice %arg9[%dma_start3A_23] : memref<32000xf32, #tpu.memory_space<vmem>> -> memref<16000xf32, #tpu.memory_space<vmem>>
    %dma_start3A_25 = arith.constant 0 : i32
    %dma_start3A_26 = tpu.memref_slice %arg4[%dma_start3A_25] : memref<320000xf32, #tpu.memory_space<hbm>> -> memref<16000xf32, #tpu.memory_space<hbm>>
    tpu.enqueue_dma source(%dma_start3A_26 : memref<16000xf32, #tpu.memory_space<hbm>>) target(%dma_start3A_24 : memref<16000xf32, #tpu.memory_space<vmem>>) target_semaphore(%arg10 : memref<!tpu.dma_semaphore, #tpu.memory_space<semaphore_mem>>)
    %dma_start3A_27 = arith.constant 16000 : i32
    %dma_start3A_28 = tpu.memref_slice %arg8[%dma_start3A_27] : memref<32000xi32, #tpu.memory_space<vmem>> -> memref<16000xi32, #tpu.memory_space<vmem>>
    %dma_start3A_29 = arith.constant 16000 : i32
    %dma_start3A_30 = tpu.memref_slice %arg3[%dma_start3A_29] : memref<320000xi32, #tpu.memory_space<hbm>> -> memref<16000xi32, #tpu.memory_space<hbm>>
    %dma_start3A_31 = arith.constant 16000 : i32
    %dma_start3A_32 = tpu.memref_slice %arg8[%dma_start3A_31] : memref<32000xi32, #tpu.memory_space<vmem>> -> memref<16000xi32, #tpu.memory_space<vmem>>
    %dma_start3A_33 = arith.constant 16000 : i32
    %dma_start3A_34 = tpu.memref_slice %arg3[%dma_start3A_33] : memref<320000xi32, #tpu.memory_space<hbm>> -> memref<16000xi32, #tpu.memory_space<hbm>>
    tpu.enqueue_dma source(%dma_start3A_34 : memref<16000xi32, #tpu.memory_space<hbm>>) target(%dma_start3A_32 : memref<16000xi32, #tpu.memory_space<vmem>>) target_semaphore(%arg11 : memref<!tpu.dma_semaphore, #tpu.memory_space<semaphore_mem>>)
    %dma_start3A_35 = arith.constant 16000 : i32
    %dma_start3A_36 = tpu.memref_slice %arg9[%dma_start3A_35] : memref<32000xf32, #tpu.memory_space<vmem>> -> memref<16000xf32, #tpu.memory_space<vmem>>
    %dma_start3A_37 = arith.constant 16000 : i32
    %dma_start3A_38 = tpu.memref_slice %arg4[%dma_start3A_37] : memref<320000xf32, #tpu.memory_space<hbm>> -> memref<16000xf32, #tpu.memory_space<hbm>>
    %dma_start3A_39 = arith.constant 16000 : i32
    %dma_start3A_40 = tpu.memref_slice %arg9[%dma_start3A_39] : memref<32000xf32, #tpu.memory_space<vmem>> -> memref<16000xf32, #tpu.memory_space<vmem>>
    %dma_start3A_41 = arith.constant 16000 : i32
    %dma_start3A_42 = tpu.memref_slice %arg4[%dma_start3A_41] : memref<320000xf32, #tpu.memory_space<hbm>> -> memref<16000xf32, #tpu.memory_space<hbm>>
    tpu.enqueue_dma source(%dma_start3A_42 : memref<16000xf32, #tpu.memory_space<hbm>>) target(%dma_start3A_40 : memref<16000xf32, #tpu.memory_space<vmem>>) target_semaphore(%arg11 : memref<!tpu.dma_semaphore, #tpu.memory_space<semaphore_mem>>)
    %mul3A_43 = arith.constant 2 : i32
    %mul3A_44 = arith.muli %add3A, %mul3A_43 : i32
    %mul3A_45 = arith.constant 10000 : i32
    %mul3A_46 = arith.muli %mul3A_44, %mul3A_45 : i32
    "tpu.region"() ({
      %run_scoped3A = tpu.sem_alloc : memref<!tpu.dma_semaphore, #tpu.memory_space<semaphore_mem>>
      %dma_start3A_97 = tpu.memref_slice %arg2[%mul3A_46] : memref<640000xi32, #tpu.memory_space<hbm>> -> memref<20000xi32, #tpu.memory_space<hbm>>
      %dma_start3A_98 = tpu.memref_slice %arg2[%mul3A_46] : memref<640000xi32, #tpu.memory_space<hbm>> -> memref<20000xi32, #tpu.memory_space<hbm>>
      tpu.enqueue_dma source(%dma_start3A_98 : memref<20000xi32, #tpu.memory_space<hbm>>) target(%arg6 : memref<20000xi32, #tpu.memory_space<vmem>>) target_semaphore(%run_scoped3A : memref<!tpu.dma_semaphore, #tpu.memory_space<semaphore_mem>>)
      %dma_wait3A_99 = tpu.memref_slice %arg2[%mul3A_46] : memref<640000xi32, #tpu.memory_space<hbm>> -> memref<20000xi32, #tpu.memory_space<hbm>>
      %dma_wait3A_100 = tpu.memref_slice %arg2[%mul3A_46] : memref<640000xi32, #tpu.memory_space<hbm>> -> memref<20000xi32, #tpu.memory_space<hbm>>
      tpu.wait_dma2 semaphore(%run_scoped3A : memref<!tpu.dma_semaphore, #tpu.memory_space<semaphore_mem>>) src(%dma_wait3A_100 : memref<20000xi32, #tpu.memory_space<hbm>>) dst(%arg6 : memref<20000xi32, #tpu.memory_space<vmem>>)
      tpu.yield
    }) : () -> ()
    %broadcast_in_dim3A_47 = arith.constant 0.000000e+00 : f32
    %broadcast_in_dim3A_48 = vector.broadcast %broadcast_in_dim3A_47 : f32 to vector<16xf32>
    %parallel_loop3A = arith.constant 0 : i32
    %parallel_loop3A_49 = arith.constant 2500 : i32
    %parallel_loop3A_50 = arith.constant 1 : i32
    scf.for %parallel_loop3A_97 = %parallel_loop3A to %parallel_loop3A_49 step %parallel_loop3A_50  : i32 {
      %parallel_loop3A_98 = arith.constant 16 : i32
      %parallel_loop3A_99 = arith.muli %parallel_loop3A_97, %parallel_loop3A_98 : i32
      %parallel_loop3A_100 = arith.index_cast %parallel_loop3A_99 : i32 to index
      %parallel_loop3A_101 = tpu.vector_load %arg7[%parallel_loop3A_100] {strides = array<i32>} : memref<40000xf32, #tpu.memory_space<vmem>>, vector<16xf32>,
      tpu.vector_store %arg7[%parallel_loop3A_100], %broadcast_in_dim3A_48 {strides = array<i32>} : memref<40000xf32, #tpu.memory_space<vmem>>, vector<16xf32>,
    } {sc.loop_unroll_factor = 8 : i64, sc.parallel_access}
    %scan3A = arith.constant 0 : i32
    %scan3A_51 = arith.constant 0 : i32
    %scan3A_52 = arith.constant 10 : i32
    %scan3A_53 = arith.addi %scan3A_51, %scan3A_52 : i32
    %scan3A_54 = arith.constant 1 : i32
    scf.for %scan3A_97 = %scan3A_51 to %scan3A_53 step %scan3A_54  : i32 {
      %mul3A_98 = arith.constant 2 : i32
      %mul3A_99 = arith.muli %scan3A_97, %mul3A_98 : i32
      %add3A_100 = arith.constant 0 : i32
      %add3A_101 = arith.addi %mul3A_99, %add3A_100 : i32
      %dma_wait3A_102 = arith.constant 0 : i32
      %dma_wait3A_103 = tpu.memref_slice %arg8[%dma_wait3A_102] : memref<32000xi32, #tpu.memory_space<vmem>> -> memref<16000xi32, #tpu.memory_space<vmem>>
      %dma_wait3A_104 = arith.constant 0 : i32
      %dma_wait3A_105 = tpu.memref_slice %arg3[%dma_wait3A_104] : memref<320000xi32, #tpu.memory_space<hbm>> -> memref<16000xi32, #tpu.memory_space<hbm>>
      %dma_wait3A_106 = arith.constant 0 : i32
      %dma_wait3A_107 = tpu.memref_slice %arg8[%dma_wait3A_106] : memref<32000xi32, #tpu.memory_space<vmem>> -> memref<16000xi32, #tpu.memory_space<vmem>>
      %dma_wait3A_108 = arith.constant 0 : i32
      %dma_wait3A_109 = tpu.memref_slice %arg3[%dma_wait3A_108] : memref<320000xi32, #tpu.memory_space<hbm>> -> memref<16000xi32, #tpu.memory_space<hbm>>
      tpu.wait_dma2 semaphore(%arg10 : memref<!tpu.dma_semaphore, #tpu.memory_space<semaphore_mem>>) src(%dma_wait3A_109 : memref<16000xi32, #tpu.memory_space<hbm>>) dst(%dma_wait3A_107 : memref<16000xi32, #tpu.memory_space<vmem>>)
      %dma_wait3A_110 = arith.constant 0 : i32
      %dma_wait3A_111 = tpu.memref_slice %arg9[%dma_wait3A_110] : memref<32000xf32, #tpu.memory_space<vmem>> -> memref<16000xf32, #tpu.memory_space<vmem>>
      %dma_wait3A_112 = arith.constant 0 : i32
      %dma_wait3A_113 = tpu.memref_slice %arg4[%dma_wait3A_112] : memref<320000xf32, #tpu.memory_space<hbm>> -> memref<16000xf32, #tpu.memory_space<hbm>>
      %dma_wait3A_114 = arith.constant 0 : i32
      %dma_wait3A_115 = tpu.memref_slice %arg9[%dma_wait3A_114] : memref<32000xf32, #tpu.memory_space<vmem>> -> memref<16000xf32, #tpu.memory_space<vmem>>
      %dma_wait3A_116 = arith.constant 0 : i32
      %dma_wait3A_117 = tpu.memref_slice %arg4[%dma_wait3A_116] : memref<320000xf32, #tpu.memory_space<hbm>> -> memref<16000xf32, #tpu.memory_space<hbm>>
      tpu.wait_dma2 semaphore(%arg10 : memref<!tpu.dma_semaphore, #tpu.memory_space<semaphore_mem>>) src(%dma_wait3A_117 : memref<16000xf32, #tpu.memory_space<hbm>>) dst(%dma_wait3A_115 : memref<16000xf32, #tpu.memory_space<vmem>>)
      %parallel_loop3A_118 = arith.constant 0 : i32
      %parallel_loop3A_119 = arith.constant 1000 : i32
      %parallel_loop3A_120 = arith.constant 1 : i32
      scf.for %parallel_loop3A_226 = %parallel_loop3A_118 to %parallel_loop3A_119 step %parallel_loop3A_120  : i32 {
        %parallel_loop3A_227 = arith.constant 16 : i32
        %parallel_loop3A_228 = arith.muli %parallel_loop3A_226, %parallel_loop3A_227 : i32
        %parallel_loop3A_229 = arith.constant 0 : i32
        %parallel_loop3A_230 = arith.addi %parallel_loop3A_229, %parallel_loop3A_228 : i32
        %parallel_loop3A_231 = arith.index_cast %parallel_loop3A_230 : i32 to index
        %parallel_loop3A_232 = tpu.vector_load %arg8[%parallel_loop3A_231] {strides = array<i32>} : memref<32000xi32, #tpu.memory_space<vmem>>, vector<16xi32>,
        %parallel_loop3A_233 = arith.index_cast %parallel_loop3A_230 : i32 to index
        %parallel_loop3A_234 = tpu.vector_load %arg9[%parallel_loop3A_233] {strides = array<i32>} : memref<32000xf32, #tpu.memory_space<vmem>>, vector<16xf32>,
        %parallel_loop3A_235 = arith.constant 16383 : i32
        %parallel_loop3A_236 = vector.broadcast %parallel_loop3A_235 : i32 to vector<16xi32>
        %parallel_loop3A_237 = arith.andi %parallel_loop3A_232, %parallel_loop3A_236 : vector<16xi32>
        %parallel_loop3A_238 = arith.constant 14 : i32
        %parallel_loop3A_239 = vector.broadcast %parallel_loop3A_238 : i32 to vector<16xi32>
        %parallel_loop3A_240 = arith.shrui %parallel_loop3A_232, %parallel_loop3A_239 : vector<16xi32>
        %parallel_loop3A_241 = arith.addi %parallel_loop3A_237, %broadcast_in_dim3A_1 : vector<16xi32>
        %parallel_loop3A_242 = tpu.vector_load_idx %arg6[%parallel_loop3A_241] : memref<20000xi32, #tpu.memory_space<vmem>>[vector<16xi32>], vector<16xi32>,
        %parallel_loop3A_243 = arith.constant 16 : i32
        %parallel_loop3A_244 = vector.broadcast %parallel_loop3A_243 : i32 to vector<16xi32>
        %parallel_loop3A_245 = arith.shli %parallel_loop3A_242, %parallel_loop3A_244 : vector<16xi32>
        %parallel_loop3A_246 = vector.bitcast %parallel_loop3A_245 : vector<16xi32> to vector<16xf32>
        %parallel_loop3A_247 = arith.constant -65536 : i32
        %parallel_loop3A_248 = vector.broadcast %parallel_loop3A_247 : i32 to vector<16xi32>
        %parallel_loop3A_249 = arith.andi %parallel_loop3A_242, %parallel_loop3A_248 : vector<16xi32>
        %parallel_loop3A_250 = vector.bitcast %parallel_loop3A_249 : vector<16xi32> to vector<16xf32>
        %parallel_loop3A_251 = arith.addi %parallel_loop3A_240, %broadcast_in_dim3A_5 : vector<16xi32>
        %parallel_loop3A_252 = arith.mulf %parallel_loop3A_234, %parallel_loop3A_246 : vector<16xf32>
        tpu.vector_store_idx %arg7[%parallel_loop3A_251], %parallel_loop3A_252 {add = true} : memref<40000xf32, #tpu.memory_space<vmem>>[vector<16xi32>], vector<16xf32>,
        %parallel_loop3A_253 = arith.addi %parallel_loop3A_240, %broadcast_in_dim3A_9 : vector<16xi32>
        %parallel_loop3A_254 = arith.mulf %parallel_loop3A_234, %parallel_loop3A_250 : vector<16xf32>
        tpu.vector_store_idx %arg7[%parallel_loop3A_253], %parallel_loop3A_254 {add = true} : memref<40000xf32, #tpu.memory_space<vmem>>[vector<16xi32>], vector<16xf32>,
        %parallel_loop3A_255 = arith.addi %parallel_loop3A_237, %broadcast_in_dim3A_3 : vector<16xi32>
        %parallel_loop3A_256 = tpu.vector_load_idx %arg6[%parallel_loop3A_255] : memref<20000xi32, #tpu.memory_space<vmem>>[vector<16xi32>], vector<16xi32>,
        %parallel_loop3A_257 = arith.constant 16 : i32
        %parallel_loop3A_258 = vector.broadcast %parallel_loop3A_257 : i32 to vector<16xi32>
        %parallel_loop3A_259 = arith.shli %parallel_loop3A_256, %parallel_loop3A_258 : vector<16xi32>
        %parallel_loop3A_260 = vector.bitcast %parallel_loop3A_259 : vector<16xi32> to vector<16xf32>
        %parallel_loop3A_261 = arith.constant -65536 : i32
        %parallel_loop3A_262 = vector.broadcast %parallel_loop3A_261 : i32 to vector<16xi32>
        %parallel_loop3A_263 = arith.andi %parallel_loop3A_256, %parallel_loop3A_262 : vector<16xi32>
        %parallel_loop3A_264 = vector.bitcast %parallel_loop3A_263 : vector<16xi32> to vector<16xf32>
        %parallel_loop3A_265 = arith.addi %parallel_loop3A_240, %broadcast_in_dim3A_7 : vector<16xi32>
        %parallel_loop3A_266 = arith.mulf %parallel_loop3A_234, %parallel_loop3A_260 : vector<16xf32>
        tpu.vector_store_idx %arg7[%parallel_loop3A_265], %parallel_loop3A_266 {add = true} : memref<40000xf32, #tpu.memory_space<vmem>>[vector<16xi32>], vector<16xf32>,
        %parallel_loop3A_267 = arith.addi %parallel_loop3A_240, %broadcast_in_dim3A_11 : vector<16xi32>
        %parallel_loop3A_268 = arith.mulf %parallel_loop3A_234, %parallel_loop3A_264 : vector<16xf32>
        tpu.vector_store_idx %arg7[%parallel_loop3A_267], %parallel_loop3A_268 {add = true} : memref<40000xf32, #tpu.memory_space<vmem>>[vector<16xi32>], vector<16xf32>,
      } {sc.loop_unroll_factor = 4 : i64, sc.parallel_access}
      %add3A_121 = arith.constant 2 : i32
      %add3A_122 = arith.addi %add3A_101, %add3A_121 : i32
      %add3A_123 = arith.constant 2 : i32
      %add3A_124 = arith.addi %add3A_101, %add3A_123 : i32
      %jit3A = arith.constant 20 : i32
      %div3A = arith.divsi %add3A_124, %jit3A : i32
      %sign3A = arith.constant 0 : i32
      %sign3A_125 = arith.cmpi sgt, %add3A_124, %sign3A : i32
      %sign3A_126 = arith.extui %sign3A_125 : i1 to i32
      %sign3A_127 = arith.constant 0 : i32
      %sign3A_128 = arith.cmpi slt, %add3A_124, %sign3A_127 : i32
      %sign3A_129 = arith.extui %sign3A_128 : i1 to i32
      %sign3A_130 = arith.subi %sign3A_126, %sign3A_129 : i32
      %sign3A_131 = arith.constant 0 : i32
      %sign3A_132 = arith.cmpi sgt, %jit3A, %sign3A_131 : i32
      %sign3A_133 = arith.extui %sign3A_132 : i1 to i32
      %sign3A_134 = arith.constant 0 : i32
      %sign3A_135 = arith.cmpi slt, %jit3A, %sign3A_134 : i32
      %sign3A_136 = arith.extui %sign3A_135 : i1 to i32
      %sign3A_137 = arith.subi %sign3A_133, %sign3A_136 : i32
      %ne3A = arith.cmpi ne, %sign3A_130, %sign3A_137 : i32
      %rem3A = arith.remsi %add3A_124, %jit3A : i32
      %ne3A_138 = arith.constant 0 : i32
      %ne3A_139 = arith.cmpi ne, %rem3A, %ne3A_138 : i32
      %and3A = arith.andi %ne3A, %ne3A_139 : i1
      %sub3A = arith.constant 1 : i32
      %sub3A_140 = arith.subi %div3A, %sub3A : i32
      %select_n3A = arith.select %and3A, %sub3A_140, %div3A : i32
      %mul3A_141 = arith.constant 20 : i32
      %mul3A_142 = arith.muli %mul3A_141, %select_n3A : i32
      %sub3A_143 = arith.subi %add3A_122, %mul3A_142 : i32
      %mul3A_144 = arith.constant 16000 : i32
      %mul3A_145 = arith.muli %sub3A_143, %mul3A_144 : i32
      %dma_start3A_146 = arith.constant 0 : i32
      %dma_start3A_147 = tpu.memref_slice %arg8[%dma_start3A_146] : memref<32000xi32, #tpu.memory_space<vmem>> -> memref<16000xi32, #tpu.memory_space<vmem>>
      %dma_start3A_148 = tpu.memref_slice %arg3[%mul3A_145] : memref<320000xi32, #tpu.memory_space<hbm>> -> memref<16000xi32, #tpu.memory_space<hbm>>
      %dma_start3A_149 = arith.constant 0 : i32
      %dma_start3A_150 = tpu.memref_slice %arg8[%dma_start3A_149] : memref<32000xi32, #tpu.memory_space<vmem>> -> memref<16000xi32, #tpu.memory_space<vmem>>
      %dma_start3A_151 = tpu.memref_slice %arg3[%mul3A_145] : memref<320000xi32, #tpu.memory_space<hbm>> -> memref<16000xi32, #tpu.memory_space<hbm>>
      tpu.enqueue_dma source(%dma_start3A_151 : memref<16000xi32, #tpu.memory_space<hbm>>) target(%dma_start3A_150 : memref<16000xi32, #tpu.memory_space<vmem>>) target_semaphore(%arg10 : memref<!tpu.dma_semaphore, #tpu.memory_space<semaphore_mem>>)
      %dma_start3A_152 = arith.constant 0 : i32
      %dma_start3A_153 = tpu.memref_slice %arg9[%dma_start3A_152] : memref<32000xf32, #tpu.memory_space<vmem>> -> memref<16000xf32, #tpu.memory_space<vmem>>
      %dma_start3A_154 = tpu.memref_slice %arg4[%mul3A_145] : memref<320000xf32, #tpu.memory_space<hbm>> -> memref<16000xf32, #tpu.memory_space<hbm>>
      %dma_start3A_155 = arith.constant 0 : i32
      %dma_start3A_156 = tpu.memref_slice %arg9[%dma_start3A_155] : memref<32000xf32, #tpu.memory_space<vmem>> -> memref<16000xf32, #tpu.memory_space<vmem>>
      %dma_start3A_157 = tpu.memref_slice %arg4[%mul3A_145] : memref<320000xf32, #tpu.memory_space<hbm>> -> memref<16000xf32, #tpu.memory_space<hbm>>
      tpu.enqueue_dma source(%dma_start3A_157 : memref<16000xf32, #tpu.memory_space<hbm>>) target(%dma_start3A_156 : memref<16000xf32, #tpu.memory_space<vmem>>) target_semaphore(%arg10 : memref<!tpu.dma_semaphore, #tpu.memory_space<semaphore_mem>>)
      %mul3A_158 = arith.constant 2 : i32
      %mul3A_159 = arith.muli %scan3A_97, %mul3A_158 : i32
      %add3A_160 = arith.constant 1 : i32
      %add3A_161 = arith.addi %mul3A_159, %add3A_160 : i32
      %dma_wait3A_162 = arith.constant 16000 : i32
      %dma_wait3A_163 = tpu.memref_slice %arg8[%dma_wait3A_162] : memref<32000xi32, #tpu.memory_space<vmem>> -> memref<16000xi32, #tpu.memory_space<vmem>>
      %dma_wait3A_164 = arith.constant 0 : i32
      %dma_wait3A_165 = tpu.memref_slice %arg3[%dma_wait3A_164] : memref<320000xi32, #tpu.memory_space<hbm>> -> memref<16000xi32, #tpu.memory_space<hbm>>
      %dma_wait3A_166 = arith.constant 16000 : i32
      %dma_wait3A_167 = tpu.memref_slice %arg8[%dma_wait3A_166] : memref<32000xi32, #tpu.memory_space<vmem>> -> memref<16000xi32, #tpu.memory_space<vmem>>
      %dma_wait3A_168 = arith.constant 0 : i32
      %dma_wait3A_169 = tpu.memref_slice %arg3[%dma_wait3A_168] : memref<320000xi32, #tpu.memory_space<hbm>> -> memref<16000xi32, #tpu.memory_space<hbm>>
      tpu.wait_dma2 semaphore(%arg11 : memref<!tpu.dma_semaphore, #tpu.memory_space<semaphore_mem>>) src(%dma_wait3A_169 : memref<16000xi32, #tpu.memory_space<hbm>>) dst(%dma_wait3A_167 : memref<16000xi32, #tpu.memory_space<vmem>>)
      %dma_wait3A_170 = arith.constant 16000 : i32
      %dma_wait3A_171 = tpu.memref_slice %arg9[%dma_wait3A_170] : memref<32000xf32, #tpu.memory_space<vmem>> -> memref<16000xf32, #tpu.memory_space<vmem>>
      %dma_wait3A_172 = arith.constant 0 : i32
      %dma_wait3A_173 = tpu.memref_slice %arg4[%dma_wait3A_172] : memref<320000xf32, #tpu.memory_space<hbm>> -> memref<16000xf32, #tpu.memory_space<hbm>>
      %dma_wait3A_174 = arith.constant 16000 : i32
      %dma_wait3A_175 = tpu.memref_slice %arg9[%dma_wait3A_174] : memref<32000xf32, #tpu.memory_space<vmem>> -> memref<16000xf32, #tpu.memory_space<vmem>>
      %dma_wait3A_176 = arith.constant 0 : i32
      %dma_wait3A_177 = tpu.memref_slice %arg4[%dma_wait3A_176] : memref<320000xf32, #tpu.memory_space<hbm>> -> memref<16000xf32, #tpu.memory_space<hbm>>
      tpu.wait_dma2 semaphore(%arg11 : memref<!tpu.dma_semaphore, #tpu.memory_space<semaphore_mem>>) src(%dma_wait3A_177 : memref<16000xf32, #tpu.memory_space<hbm>>) dst(%dma_wait3A_175 : memref<16000xf32, #tpu.memory_space<vmem>>)
      %parallel_loop3A_178 = arith.constant 0 : i32
      %parallel_loop3A_179 = arith.constant 1000 : i32
      %parallel_loop3A_180 = arith.constant 1 : i32
      scf.for %parallel_loop3A_226 = %parallel_loop3A_178 to %parallel_loop3A_179 step %parallel_loop3A_180  : i32 {
        %parallel_loop3A_227 = arith.constant 16 : i32
        %parallel_loop3A_228 = arith.muli %parallel_loop3A_226, %parallel_loop3A_227 : i32
        %parallel_loop3A_229 = arith.constant 16000 : i32
        %parallel_loop3A_230 = arith.addi %parallel_loop3A_229, %parallel_loop3A_228 : i32
        %parallel_loop3A_231 = arith.index_cast %parallel_loop3A_230 : i32 to index
        %parallel_loop3A_232 = tpu.vector_load %arg8[%parallel_loop3A_231] {strides = array<i32>} : memref<32000xi32, #tpu.memory_space<vmem>>, vector<16xi32>,
        %parallel_loop3A_233 = arith.index_cast %parallel_loop3A_230 : i32 to index
        %parallel_loop3A_234 = tpu.vector_load %arg9[%parallel_loop3A_233] {strides = array<i32>} : memref<32000xf32, #tpu.memory_space<vmem>>, vector<16xf32>,
        %parallel_loop3A_235 = arith.constant 16383 : i32
        %parallel_loop3A_236 = vector.broadcast %parallel_loop3A_235 : i32 to vector<16xi32>
        %parallel_loop3A_237 = arith.andi %parallel_loop3A_232, %parallel_loop3A_236 : vector<16xi32>
        %parallel_loop3A_238 = arith.constant 14 : i32
        %parallel_loop3A_239 = vector.broadcast %parallel_loop3A_238 : i32 to vector<16xi32>
        %parallel_loop3A_240 = arith.shrui %parallel_loop3A_232, %parallel_loop3A_239 : vector<16xi32>
        %parallel_loop3A_241 = arith.addi %parallel_loop3A_237, %broadcast_in_dim3A_1 : vector<16xi32>
        %parallel_loop3A_242 = tpu.vector_load_idx %arg6[%parallel_loop3A_241] : memref<20000xi32, #tpu.memory_space<vmem>>[vector<16xi32>], vector<16xi32>,
        %parallel_loop3A_243 = arith.constant 16 : i32
        %parallel_loop3A_244 = vector.broadcast %parallel_loop3A_243 : i32 to vector<16xi32>
        %parallel_loop3A_245 = arith.shli %parallel_loop3A_242, %parallel_loop3A_244 : vector<16xi32>
        %parallel_loop3A_246 = vector.bitcast %parallel_loop3A_245 : vector<16xi32> to vector<16xf32>
        %parallel_loop3A_247 = arith.constant -65536 : i32
        %parallel_loop3A_248 = vector.broadcast %parallel_loop3A_247 : i32 to vector<16xi32>
        %parallel_loop3A_249 = arith.andi %parallel_loop3A_242, %parallel_loop3A_248 : vector<16xi32>
        %parallel_loop3A_250 = vector.bitcast %parallel_loop3A_249 : vector<16xi32> to vector<16xf32>
        %parallel_loop3A_251 = arith.addi %parallel_loop3A_240, %broadcast_in_dim3A_5 : vector<16xi32>
        %parallel_loop3A_252 = arith.mulf %parallel_loop3A_234, %parallel_loop3A_246 : vector<16xf32>
        tpu.vector_store_idx %arg7[%parallel_loop3A_251], %parallel_loop3A_252 {add = true} : memref<40000xf32, #tpu.memory_space<vmem>>[vector<16xi32>], vector<16xf32>,
        %parallel_loop3A_253 = arith.addi %parallel_loop3A_240, %broadcast_in_dim3A_9 : vector<16xi32>
        %parallel_loop3A_254 = arith.mulf %parallel_loop3A_234, %parallel_loop3A_250 : vector<16xf32>
        tpu.vector_store_idx %arg7[%parallel_loop3A_253], %parallel_loop3A_254 {add = true} : memref<40000xf32, #tpu.memory_space<vmem>>[vector<16xi32>], vector<16xf32>,
        %parallel_loop3A_255 = arith.addi %parallel_loop3A_237, %broadcast_in_dim3A_3 : vector<16xi32>
        %parallel_loop3A_256 = tpu.vector_load_idx %arg6[%parallel_loop3A_255] : memref<20000xi32, #tpu.memory_space<vmem>>[vector<16xi32>], vector<16xi32>,
        %parallel_loop3A_257 = arith.constant 16 : i32
        %parallel_loop3A_258 = vector.broadcast %parallel_loop3A_257 : i32 to vector<16xi32>
        %parallel_loop3A_259 = arith.shli %parallel_loop3A_256, %parallel_loop3A_258 : vector<16xi32>
        %parallel_loop3A_260 = vector.bitcast %parallel_loop3A_259 : vector<16xi32> to vector<16xf32>
        %parallel_loop3A_261 = arith.constant -65536 : i32
        %parallel_loop3A_262 = vector.broadcast %parallel_loop3A_261 : i32 to vector<16xi32>
        %parallel_loop3A_263 = arith.andi %parallel_loop3A_256, %parallel_loop3A_262 : vector<16xi32>
        %parallel_loop3A_264 = vector.bitcast %parallel_loop3A_263 : vector<16xi32> to vector<16xf32>
        %parallel_loop3A_265 = arith.addi %parallel_loop3A_240, %broadcast_in_dim3A_7 : vector<16xi32>
        %parallel_loop3A_266 = arith.mulf %parallel_loop3A_234, %parallel_loop3A_260 : vector<16xf32>
        tpu.vector_store_idx %arg7[%parallel_loop3A_265], %parallel_loop3A_266 {add = true} : memref<40000xf32, #tpu.memory_space<vmem>>[vector<16xi32>], vector<16xf32>,
        %parallel_loop3A_267 = arith.addi %parallel_loop3A_240, %broadcast_in_dim3A_11 : vector<16xi32>
        %parallel_loop3A_268 = arith.mulf %parallel_loop3A_234, %parallel_loop3A_264 : vector<16xf32>
        tpu.vector_store_idx %arg7[%parallel_loop3A_267], %parallel_loop3A_268 {add = true} : memref<40000xf32, #tpu.memory_space<vmem>>[vector<16xi32>], vector<16xf32>,
      } {sc.loop_unroll_factor = 4 : i64, sc.parallel_access}
      %add3A_181 = arith.constant 2 : i32
      %add3A_182 = arith.addi %add3A_161, %add3A_181 : i32
      %add3A_183 = arith.constant 2 : i32
      %add3A_184 = arith.addi %add3A_161, %add3A_183 : i32
      %jit3A_185 = arith.constant 20 : i32
      %div3A_186 = arith.divsi %add3A_184, %jit3A_185 : i32
      %sign3A_187 = arith.constant 0 : i32
      %sign3A_188 = arith.cmpi sgt, %add3A_184, %sign3A_187 : i32
      %sign3A_189 = arith.extui %sign3A_188 : i1 to i32
      %sign3A_190 = arith.constant 0 : i32
      %sign3A_191 = arith.cmpi slt, %add3A_184, %sign3A_190 : i32
      %sign3A_192 = arith.extui %sign3A_191 : i1 to i32
      %sign3A_193 = arith.subi %sign3A_189, %sign3A_192 : i32
      %sign3A_194 = arith.constant 0 : i32
      %sign3A_195 = arith.cmpi sgt, %jit3A_185, %sign3A_194 : i32
      %sign3A_196 = arith.extui %sign3A_195 : i1 to i32
      %sign3A_197 = arith.constant 0 : i32
      %sign3A_198 = arith.cmpi slt, %jit3A_185, %sign3A_197 : i32
      %sign3A_199 = arith.extui %sign3A_198 : i1 to i32
      %sign3A_200 = arith.subi %sign3A_196, %sign3A_199 : i32
      %ne3A_201 = arith.cmpi ne, %sign3A_193, %sign3A_200 : i32
      %rem3A_202 = arith.remsi %add3A_184, %jit3A_185 : i32
      %ne3A_203 = arith.constant 0 : i32
      %ne3A_204 = arith.cmpi ne, %rem3A_202, %ne3A_203 : i32
      %and3A_205 = arith.andi %ne3A_201, %ne3A_204 : i1
      %sub3A_206 = arith.constant 1 : i32
      %sub3A_207 = arith.subi %div3A_186, %sub3A_206 : i32
      %select_n3A_208 = arith.select %and3A_205, %sub3A_207, %div3A_186 : i32
      %mul3A_209 = arith.constant 20 : i32
      %mul3A_210 = arith.muli %mul3A_209, %select_n3A_208 : i32
      %sub3A_211 = arith.subi %add3A_182, %mul3A_210 : i32
      %mul3A_212 = arith.constant 16000 : i32
      %mul3A_213 = arith.muli %sub3A_211, %mul3A_212 : i32
      %dma_start3A_214 = arith.constant 16000 : i32
      %dma_start3A_215 = tpu.memref_slice %arg8[%dma_start3A_214] : memref<32000xi32, #tpu.memory_space<vmem>> -> memref<16000xi32, #tpu.memory_space<vmem>>
      %dma_start3A_216 = tpu.memref_slice %arg3[%mul3A_213] : memref<320000xi32, #tpu.memory_space<hbm>> -> memref<16000xi32, #tpu.memory_space<hbm>>
      %dma_start3A_217 = arith.constant 16000 : i32
      %dma_start3A_218 = tpu.memref_slice %arg8[%dma_start3A_217] : memref<32000xi32, #tpu.memory_space<vmem>> -> memref<16000xi32, #tpu.memory_space<vmem>>
      %dma_start3A_219 = tpu.memref_slice %arg3[%mul3A_213] : memref<320000xi32, #tpu.memory_space<hbm>> -> memref<16000xi32, #tpu.memory_space<hbm>>
      tpu.enqueue_dma source(%dma_start3A_219 : memref<16000xi32, #tpu.memory_space<hbm>>) target(%dma_start3A_218 : memref<16000xi32, #tpu.memory_space<vmem>>) target_semaphore(%arg11 : memref<!tpu.dma_semaphore, #tpu.memory_space<semaphore_mem>>)
      %dma_start3A_220 = arith.constant 16000 : i32
      %dma_start3A_221 = tpu.memref_slice %arg9[%dma_start3A_220] : memref<32000xf32, #tpu.memory_space<vmem>> -> memref<16000xf32, #tpu.memory_space<vmem>>
      %dma_start3A_222 = tpu.memref_slice %arg4[%mul3A_213] : memref<320000xf32, #tpu.memory_space<hbm>> -> memref<16000xf32, #tpu.memory_space<hbm>>
      %dma_start3A_223 = arith.constant 16000 : i32
      %dma_start3A_224 = tpu.memref_slice %arg9[%dma_start3A_223] : memref<32000xf32, #tpu.memory_space<vmem>> -> memref<16000xf32, #tpu.memory_space<vmem>>
      %dma_start3A_225 = tpu.memref_slice %arg4[%mul3A_213] : memref<320000xf32, #tpu.memory_space<hbm>> -> memref<16000xf32, #tpu.memory_space<hbm>>
      tpu.enqueue_dma source(%dma_start3A_225 : memref<16000xf32, #tpu.memory_space<hbm>>) target(%dma_start3A_224 : memref<16000xf32, #tpu.memory_space<vmem>>) target_semaphore(%arg11 : memref<!tpu.dma_semaphore, #tpu.memory_space<semaphore_mem>>)
    }
    %scan3A_55 = arith.constant 10 : i32
    %dma_wait3A = arith.constant 0 : i32
    %dma_wait3A_56 = tpu.memref_slice %arg8[%dma_wait3A] : memref<32000xi32, #tpu.memory_space<vmem>> -> memref<16000xi32, #tpu.memory_space<vmem>>
    %dma_wait3A_57 = arith.constant 0 : i32
    %dma_wait3A_58 = tpu.memref_slice %arg3[%dma_wait3A_57] : memref<320000xi32, #tpu.memory_space<hbm>> -> memref<16000xi32, #tpu.memory_space<hbm>>
    %dma_wait3A_59 = arith.constant 0 : i32
    %dma_wait3A_60 = tpu.memref_slice %arg8[%dma_wait3A_59] : memref<32000xi32, #tpu.memory_space<vmem>> -> memref<16000xi32, #tpu.memory_space<vmem>>
    %dma_wait3A_61 = arith.constant 0 : i32
    %dma_wait3A_62 = tpu.memref_slice %arg3[%dma_wait3A_61] : memref<320000xi32, #tpu.memory_space<hbm>> -> memref<16000xi32, #tpu.memory_space<hbm>>
    tpu.wait_dma2 semaphore(%arg10 : memref<!tpu.dma_semaphore, #tpu.memory_space<semaphore_mem>>) src(%dma_wait3A_62 : memref<16000xi32, #tpu.memory_space<hbm>>) dst(%dma_wait3A_60 : memref<16000xi32, #tpu.memory_space<vmem>>)
    %dma_wait3A_63 = arith.constant 0 : i32
    %dma_wait3A_64 = tpu.memref_slice %arg9[%dma_wait3A_63] : memref<32000xf32, #tpu.memory_space<vmem>> -> memref<16000xf32, #tpu.memory_space<vmem>>
    %dma_wait3A_65 = arith.constant 0 : i32
    %dma_wait3A_66 = tpu.memref_slice %arg4[%dma_wait3A_65] : memref<320000xf32, #tpu.memory_space<hbm>> -> memref<16000xf32, #tpu.memory_space<hbm>>
    %dma_wait3A_67 = arith.constant 0 : i32
    %dma_wait3A_68 = tpu.memref_slice %arg9[%dma_wait3A_67] : memref<32000xf32, #tpu.memory_space<vmem>> -> memref<16000xf32, #tpu.memory_space<vmem>>
    %dma_wait3A_69 = arith.constant 0 : i32
    %dma_wait3A_70 = tpu.memref_slice %arg4[%dma_wait3A_69] : memref<320000xf32, #tpu.memory_space<hbm>> -> memref<16000xf32, #tpu.memory_space<hbm>>
    tpu.wait_dma2 semaphore(%arg10 : memref<!tpu.dma_semaphore, #tpu.memory_space<semaphore_mem>>) src(%dma_wait3A_70 : memref<16000xf32, #tpu.memory_space<hbm>>) dst(%dma_wait3A_68 : memref<16000xf32, #tpu.memory_space<vmem>>)
    %dma_wait3A_71 = arith.constant 16000 : i32
    %dma_wait3A_72 = tpu.memref_slice %arg8[%dma_wait3A_71] : memref<32000xi32, #tpu.memory_space<vmem>> -> memref<16000xi32, #tpu.memory_space<vmem>>
    %dma_wait3A_73 = arith.constant 0 : i32
    %dma_wait3A_74 = tpu.memref_slice %arg3[%dma_wait3A_73] : memref<320000xi32, #tpu.memory_space<hbm>> -> memref<16000xi32, #tpu.memory_space<hbm>>
    %dma_wait3A_75 = arith.constant 16000 : i32
    %dma_wait3A_76 = tpu.memref_slice %arg8[%dma_wait3A_75] : memref<32000xi32, #tpu.memory_space<vmem>> -> memref<16000xi32, #tpu.memory_space<vmem>>
    %dma_wait3A_77 = arith.constant 0 : i32
    %dma_wait3A_78 = tpu.memref_slice %arg3[%dma_wait3A_77] : memref<320000xi32, #tpu.memory_space<hbm>> -> memref<16000xi32, #tpu.memory_space<hbm>>
    tpu.wait_dma2 semaphore(%arg11 : memref<!tpu.dma_semaphore, #tpu.memory_space<semaphore_mem>>) src(%dma_wait3A_78 : memref<16000xi32, #tpu.memory_space<hbm>>) dst(%dma_wait3A_76 : memref<16000xi32, #tpu.memory_space<vmem>>)
    %dma_wait3A_79 = arith.constant 16000 : i32
    %dma_wait3A_80 = tpu.memref_slice %arg9[%dma_wait3A_79] : memref<32000xf32, #tpu.memory_space<vmem>> -> memref<16000xf32, #tpu.memory_space<vmem>>
    %dma_wait3A_81 = arith.constant 0 : i32
    %dma_wait3A_82 = tpu.memref_slice %arg4[%dma_wait3A_81] : memref<320000xf32, #tpu.memory_space<hbm>> -> memref<16000xf32, #tpu.memory_space<hbm>>
    %dma_wait3A_83 = arith.constant 16000 : i32
    %dma_wait3A_84 = tpu.memref_slice %arg9[%dma_wait3A_83] : memref<32000xf32, #tpu.memory_space<vmem>> -> memref<16000xf32, #tpu.memory_space<vmem>>
    %dma_wait3A_85 = arith.constant 0 : i32
    %dma_wait3A_86 = tpu.memref_slice %arg4[%dma_wait3A_85] : memref<320000xf32, #tpu.memory_space<hbm>> -> memref<16000xf32, #tpu.memory_space<hbm>>
    tpu.wait_dma2 semaphore(%arg11 : memref<!tpu.dma_semaphore, #tpu.memory_space<semaphore_mem>>) src(%dma_wait3A_86 : memref<16000xf32, #tpu.memory_space<hbm>>) dst(%dma_wait3A_84 : memref<16000xf32, #tpu.memory_space<vmem>>)
    %mul3A_87 = arith.constant 2 : i32
    %mul3A_88 = arith.muli %add3A, %mul3A_87 : i32
    %mul3A_89 = arith.constant 10000 : i32
    %mul3A_90 = arith.muli %mul3A_88, %mul3A_89 : i32
    "tpu.region"() ({
      %run_scoped3A = tpu.sem_alloc : memref<!tpu.dma_semaphore, #tpu.memory_space<semaphore_mem>>
      %dma_start3A_97 = arith.constant 0 : i32
      %dma_start3A_98 = tpu.memref_slice %arg7[%dma_start3A_97] : memref<40000xf32, #tpu.memory_space<vmem>> -> memref<20000xf32, #tpu.memory_space<vmem>>
      %dma_start3A_99 = tpu.memref_slice %arg5[%mul3A_90] : memref<1280000xf32, #tpu.memory_space<hbm>> -> memref<20000xf32, #tpu.memory_space<hbm>>
      %dma_start3A_100 = tpu.memref_slice %arg5[%mul3A_90] : memref<1280000xf32, #tpu.memory_space<hbm>> -> memref<20000xf32, #tpu.memory_space<hbm>>
      %dma_start3A_101 = arith.constant 0 : i32
      %dma_start3A_102 = tpu.memref_slice %arg7[%dma_start3A_101] : memref<40000xf32, #tpu.memory_space<vmem>> -> memref<20000xf32, #tpu.memory_space<vmem>>
      tpu.enqueue_dma source(%dma_start3A_102 : memref<20000xf32, #tpu.memory_space<vmem>>) target(%dma_start3A_100 : memref<20000xf32, #tpu.memory_space<hbm>>) target_semaphore(%run_scoped3A : memref<!tpu.dma_semaphore, #tpu.memory_space<semaphore_mem>>)
      %dma_wait3A_103 = arith.constant 0 : i32
      %dma_wait3A_104 = tpu.memref_slice %arg7[%dma_wait3A_103] : memref<40000xf32, #tpu.memory_space<vmem>> -> memref<20000xf32, #tpu.memory_space<vmem>>
      %dma_wait3A_105 = tpu.memref_slice %arg5[%mul3A_90] : memref<1280000xf32, #tpu.memory_space<hbm>> -> memref<20000xf32, #tpu.memory_space<hbm>>
      %dma_wait3A_106 = tpu.memref_slice %arg5[%mul3A_90] : memref<1280000xf32, #tpu.memory_space<hbm>> -> memref<20000xf32, #tpu.memory_space<hbm>>
      %dma_wait3A_107 = arith.constant 0 : i32
      %dma_wait3A_108 = tpu.memref_slice %arg7[%dma_wait3A_107] : memref<40000xf32, #tpu.memory_space<vmem>> -> memref<20000xf32, #tpu.memory_space<vmem>>
      tpu.wait_dma2 semaphore(%run_scoped3A : memref<!tpu.dma_semaphore, #tpu.memory_space<semaphore_mem>>) src(%dma_wait3A_108 : memref<20000xf32, #tpu.memory_space<vmem>>) dst(%dma_wait3A_106 : memref<20000xf32, #tpu.memory_space<hbm>>)
      tpu.yield
    }) : () -> ()
    %mul3A_91 = arith.constant 2 : i32
    %mul3A_92 = arith.muli %add3A, %mul3A_91 : i32
    %add3A_93 = arith.constant 64 : i32
    %add3A_94 = arith.addi %add3A_93, %mul3A_92 : i32
    %mul3A_95 = arith.constant 10000 : i32
    %mul3A_96 = arith.muli %add3A_94, %mul3A_95 : i32
    "tpu.region"() ({
      %run_scoped3A = tpu.sem_alloc : memref<!tpu.dma_semaphore, #tpu.memory_space<semaphore_mem>>
      %dma_start3A_97 = arith.constant 20000 : i32
      %dma_start3A_98 = tpu.memref_slice %arg7[%dma_start3A_97] : memref<40000xf32, #tpu.memory_space<vmem>> -> memref<20000xf32, #tpu.memory_space<vmem>>
      %dma_start3A_99 = tpu.memref_slice %arg5[%mul3A_96] : memref<1280000xf32, #tpu.memory_space<hbm>> -> memref<20000xf32, #tpu.memory_space<hbm>>
      %dma_start3A_100 = tpu.memref_slice %arg5[%mul3A_96] : memref<1280000xf32, #tpu.memory_space<hbm>> -> memref<20000xf32, #tpu.memory_space<hbm>>
      %dma_start3A_101 = arith.constant 20000 : i32
      %dma_start3A_102 = tpu.memref_slice %arg7[%dma_start3A_101] : memref<40000xf32, #tpu.memory_space<vmem>> -> memref<20000xf32, #tpu.memory_space<vmem>>
      tpu.enqueue_dma source(%dma_start3A_102 : memref<20000xf32, #tpu.memory_space<vmem>>) target(%dma_start3A_100 : memref<20000xf32, #tpu.memory_space<hbm>>) target_semaphore(%run_scoped3A : memref<!tpu.dma_semaphore, #tpu.memory_space<semaphore_mem>>)
      %dma_wait3A_103 = arith.constant 20000 : i32
      %dma_wait3A_104 = tpu.memref_slice %arg7[%dma_wait3A_103] : memref<40000xf32, #tpu.memory_space<vmem>> -> memref<20000xf32, #tpu.memory_space<vmem>>
      %dma_wait3A_105 = tpu.memref_slice %arg5[%mul3A_96] : memref<1280000xf32, #tpu.memory_space<hbm>> -> memref<20000xf32, #tpu.memory_space<hbm>>
      %dma_wait3A_106 = tpu.memref_slice %arg5[%mul3A_96] : memref<1280000xf32, #tpu.memory_space<hbm>> -> memref<20000xf32, #tpu.memory_space<hbm>>
      %dma_wait3A_107 = arith.constant 20000 : i32
      %dma_wait3A_108 = tpu.memref_slice %arg7[%dma_wait3A_107] : memref<40000xf32, #tpu.memory_space<vmem>> -> memref<20000xf32, #tpu.memory_space<vmem>>
      tpu.wait_dma2 semaphore(%run_scoped3A : memref<!tpu.dma_semaphore, #tpu.memory_space<semaphore_mem>>) src(%dma_wait3A_108 : memref<20000xf32, #tpu.memory_space<vmem>>) dst(%dma_wait3A_106 : memref<20000xf32, #tpu.memory_space<hbm>>)
      tpu.yield
    }) : () -> ()
    return
  }
}

module attributes {stable_mosaic.version = 14 : i64} {
  func.func @_pack_body(%arg0: memref<10000x128xf32, #tpu.memory_space<vmem>>, %arg1: memref<64x10000xi32, #tpu.memory_space<vmem>>) attributes {dimension_semantics = [], scalar_prefetch = 0 : i64, scratch_operands = 0 : i64, tpu.core_type = #tpu.core_type<tc>} {
    %get3A = arith.constant 0 : index
    %get3A_0 = arith.constant 0 : index
    %get3A_1 = vector.load %arg0[%get3A, %get3A_0] : memref<10000x128xf32, #tpu.memory_space<vmem>>, vector<10000x128xf32>
    %convert_element_type3A = arith.truncf %get3A_1 : vector<10000x128xf32> to vector<10000x128xbf16>
    %bitcast_convert_type3A = tpu.bitcast %convert_element_type3A : vector<10000x128xbf16> -> vector<10000x128xi16>
    %slice3A = vector.extract_strided_slice %bitcast_convert_type3A {offsets = [0, 0], sizes = [10000, 64], strides = [1, 1]} : vector<10000x128xi16> to vector<10000x64xi16>
    %convert_element_type3A_2 = arith.extui %slice3A : vector<10000x64xi16> to vector<10000x64xi32>
    %slice3A_3 = vector.extract_strided_slice %bitcast_convert_type3A {offsets = [0, 64], sizes = [10000, 64], strides = [1, 1]} : vector<10000x128xi16> to vector<10000x64xi16>
    %convert_element_type3A_4 = arith.extui %slice3A_3 : vector<10000x64xi16> to vector<10000x64xi32>
    %shift_left3A = arith.constant 16 : i32
    %shift_left3A_5 = vector.broadcast %shift_left3A : i32 to vector<10000x64xi32>
    %shift_left3A_6 = arith.shli %convert_element_type3A_4, %shift_left3A_5 : vector<10000x64xi32>
    %or3A = arith.ori %convert_element_type3A_2, %shift_left3A_6 : vector<10000x64xi32>
    %bitcast_convert_type3A_7 = tpu.bitcast %or3A : vector<10000x64xi32> -> vector<10000x64xi32>
    %transpose3A = tpu.transpose %bitcast_convert_type3A_7, [1, 0] : vector<10000x64xi32> -> vector<64x10000xi32>
    %swap3A = arith.constant 0 : index
    %swap3A_8 = arith.constant 0 : index
    %swap3A_9 = vector.load %arg1[%swap3A, %swap3A_8] : memref<64x10000xi32, #tpu.memory_space<vmem>>, vector<64x10000xi32>
    tpu.vector_store %arg1[%swap3A, %swap3A_8], %transpose3A {strides = array<i32>} : memref<64x10000xi32, #tpu.memory_space<vmem>>, vector<64x10000xi32>,
    return
  }
}

module attributes {stable_mosaic.version = 14 : i64} {
  func.func @_proj_body(%arg0: memref<128x10000xf32, #tpu.memory_space<vmem>>, %arg1: memref<128x128xf32, #tpu.memory_space<vmem>>, %arg2: memref<10000x128xf32, #tpu.memory_space<vmem>>) attributes {dimension_semantics = [], scalar_prefetch = 0 : i64, scratch_operands = 0 : i64, tpu.core_type = #tpu.core_type<tc>} {
    %get3A = arith.constant 0 : index
    %get3A_0 = arith.constant 0 : index
    %get3A_1 = vector.load %arg0[%get3A, %get3A_0] : memref<128x10000xf32, #tpu.memory_space<vmem>>, vector<128x10000xf32>
    %get3A_2 = arith.constant 0 : index
    %get3A_3 = arith.constant 0 : index
    %get3A_4 = vector.load %arg1[%get3A_2, %get3A_3] : memref<128x128xf32, #tpu.memory_space<vmem>>, vector<128x128xf32>
    %dot_general3A = arith.constant dense<0.000000e+00> : vector<10000x128xf32>
    %dot_general3A_5 = tpu.matmul %get3A_1, %get3A_4, %dot_general3A {dimension_numbers = #tpu.dot_dimension_numbers<[0], [0], [1], [1], [0, 1, 1, 1], [], []>, transpose_lhs_hint = false} : vector<128x10000xf32>, vector<128x128xf32>, vector<10000x128xf32> -> vector<10000x128xf32>
    %swap3A = arith.constant 0 : index
    %swap3A_6 = arith.constant 0 : index
    %swap3A_7 = vector.load %arg2[%swap3A, %swap3A_6] : memref<10000x128xf32, #tpu.memory_space<vmem>>, vector<10000x128xf32>
    tpu.vector_store %arg2[%swap3A, %swap3A_6], %dot_general3A_5 {strides = array<i32>} : memref<10000x128xf32, #tpu.memory_space<vmem>>, vector<10000x128xf32>,
    return
  }
}

</mosaic_0001>

<sc_bundles>
// kernel: kernel.5.cloned.1.call-start
scs
__scs_entry_jumppad:
0x0: {  	(pc) =	sbr.rel $0x88, $3  }
0x1: {  	(tag) =	ssettag $0x0;
	lr =	simm.s32 $0x1  }
0x2: {  	[smem:$0x3F9D] =	sst lr;
	_ =	strace $0xD0000000  }
0x3: {  	_ = 	snop  }
0x4: {  	_ = 	snop  }
0x5: {  	_ = 	snop  }
0x6: {  	_ = 	snop  }
0x7: {  	_ = 	snop  }
__scs_overlays_trampoline_lowered:
0x8: {  	[smem:$0x3FAC] =	sst s0  }
0x9: {  	[smem:$0x3FAD] =	sst s1  }
0xa: {  	[smem:$0x3FAE] =	sst s2  }
0xb: {  	[smem:$0x3FAF] =	sst s3  }
0xc: {  	[smem:$0x3FB0] =	sst s4  }
0xd: {  	[smem:$0x3FB1] =	sst s5  }
0xe: {  	[smem:$0x3FB2] =	sst s6  }
0xf: {  	[smem:$0x3FB3] =	sst s7  }
0x10: {  	[smem:$0x3FB4] =	sst s8  }
0x11: {  	[smem:$0x3FB5] =	sst s9;
	s0 =	simm.s32 @!p0 $0x0  }
0x12: {  	s1 =	sld [smem:$0x3F9B];
	s0 =	simm.s32 @p0 $0x1  }
0x13: {  	[smem:$0x3FB6] =	sst s0;
	s0 =	simm.s32 @!p1 $0x0  }
0x14: {  	s2 =	sld [smem:$0x3F9A];
	s0 =	simm.s32 @p1 $0x1  }
0x15: {  	[smem:$0x3FB7] =	sst s0;
	s0 =	simm.s32 @!p2 $0x0  }
0x16: {  	s3 =	sld [smem:$0x3FDB];
	s0 =	simm.s32 @p2 $0x1  }
0x17: {  	s4 =	simm.s32 $0x1BF5;
	[smem:$0x3FB9] =	sst s0  }
0x18: {  	s0 =	sld [smem:$0x3F9C];
	_ =	swait.ge [sflag:s4], $0x0  }
0x19: {  	s7 =	sld [smem:$0x3F9D]  }
0x1a: {  	s8 =	sadd.s32 $0xFFFFE003, lr  }
0x1b: {  	s9 =	sadd.s32 $0xFFFFFEF7, lr;
	s5 =	simm.s32 $0xFFFFFFFF;
	p2 =	slt.u32 s8, $0xFFFFF086  }
0x1c: {  	p1 =	slt.u32 s9, $0xF7A;
	s5 =	simm.s32 @!p2 $0x0  }
0x1d: {  	s5 =	simm.s32 @p1 $0x1;
	p0 =	seq.s32 s7, s2  }
0x1e: {  	s7 =	smul.u32 @!p0 $0xF7A, s2;
	p2 =	seq.s32 @!p0 s5, $0x0  }
0x1f: {  	s9 =	smul.u32 $0xF7A, s1;
	s8 =	simm.s32 @!p0 $0x1BF5;
	p2 =	por !p2, p0  }
0x20: {  	[sflag:s8] =	ssyncset.s32 @!p0 $0xFFFFF086;
	s6 =	sadd.s32 @!p0 s3, s7;
	s7 =	simm.s32 @!p0 $0x108  }
0x21: {  	s3 =	sadd.s32 s3, s9;
	s6 =	sadd.s32 @!p0 $0x88, s6;
	s7 =	simm.s32 @p2 $0x1082  }
0x22: {  	[simem:s7], [sflag:s8] =	dma.local @!p0 [hbm:s6], $0xF7A  }
0x23: {  	s9 =	sor.u32 $0xD0000000, s2;
	s6 =	simm.s32 $0x108;
	_ =	swait.ge @!p0 [sflag:s8], $0x0  }
0x24: {  	s3 =	sadd.s32 $0x88, s3;
	s6 =	simm.s32 @!p1 $0x1082;
	[sflag:s4] =	ssyncset.s32 $0xFFFFF086  }
0x25: {  	[simem:s6], [sflag:s4] =	dma.local [hbm:s3], $0xF7A  }
0x26: {  	[smem:$0x3F9D] =	sst s1;
	(tag) =	ssettag s2;
	_ =	strace s9  }
0x27: {  	s1 =	sld [smem:$0x3FAD]  }
0x28: {  	s2 =	sld [smem:$0x3FAE]  }
0x29: {  	s4 =	sld [smem:$0x3FB0]  }
0x2a: {  	p0 =	seq.s32 s5, $0x0;
	s5 =	sld [smem:$0x3FB1]  }
0x2b: {  	s6 =	sld [smem:$0x3FB2]  }
0x2c: {  	s7 =	sld [smem:$0x3FB3]  }
0x2d: {  	s3 =	simm.s32 $0x108;
	s8 =	sld [smem:$0x3FB4]  }
0x2e: {  	s3 =	simm.s32 @!p0 $0x1082;
	s9 =	sld [smem:$0x3FB5]  }
0x2f: {  	lr =	sadd.s32 s0, s3;
	s0 =	sld [smem:$0x3FAC]  }
0x30: {  	s3 =	sld [smem:$0x3FAF]  }
0x31: {  	[smem:$0x3FB8] =	sst s10  }
0x32: {  	s10 =	sld [smem:$0x3FB6];
	_ =	sdelay $0x3  }
0x33: {  	p0 =	seq.s32 s10, $0x1;
	s10 =	sld [smem:$0x3FB8];
	_ =	sdelay $0x3  }
0x34: {  	[smem:$0x3FB8] =	sst s10  }
0x35: {  	s10 =	sld [smem:$0x3FB7];
	_ =	sdelay $0x3  }
0x36: {  	p1 =	seq.s32 s10, $0x1;
	s10 =	sld [smem:$0x3FB8];
	_ =	sdelay $0x3  }
0x37: {  	[smem:$0x3FB8] =	sst s10  }
0x38: {  	s10 =	sld [smem:$0x3FB9]  }
0x39: {  	_ = 	snop;
	(pc) =	sbr.ind lr, $3  }
0x3a: {  	_ = 	snop  }
0x3b: {  	_ = 	snop  }
0x3c: {  	p2 =	seq.s32 s10, $0x1;
	s10 =	sld [smem:$0x3FB8]  }
0x3d: {  	_ =	shalt  }
0x3e: {  	_ =	shalt  }
0x3f: {  	_ =	shalt  }
0x40: {  	_ =	shalt  }
0x41: {  	_ =	shalt  }
0x42: {  	_ =	shalt  }
0x43: {  	_ =	shalt  }
0x44: {  	_ =	shalt  }
0x45: {  	_ =	shalt  }
0x46: {  	_ =	shalt  }
0x47: {  	_ =	shalt  }
0x48: {  	_ =	shalt  }
0x49: {  	_ =	shalt  }
0x4a: {  	_ =	shalt  }
0x4b: {  	_ =	shalt  }
0x4c: {  	_ =	shalt  }
0x4d: {  	_ =	shalt  }
0x4e: {  	_ =	shalt  }
0x4f: {  	_ =	shalt  }
0x50: {  	_ =	shalt  }
0x51: {  	_ =	shalt  }
0x52: {  	_ =	shalt  }
0x53: {  	_ =	shalt  }
0x54: {  	_ =	shalt  }
0x55: {  	_ =	shalt  }
0x56: {  	_ =	shalt  }
0x57: {  	_ =	shalt  }
0x58: {  	_ =	shalt  }
0x59: {  	_ =	shalt  }
0x5a: {  	_ =	shalt  }
0x5b: {  	_ =	shalt  }
0x5c: {  	_ =	shalt  }
0x5d: {  	_ =	shalt  }
0x5e: {  	_ =	shalt  }
0x5f: {  	_ =	shalt  }
0x60: {  	_ =	shalt  }
0x61: {  	_ =	shalt  }
0x62: {  	_ =	shalt  }
0x63: {  	_ =	shalt  }
0x64: {  	_ =	shalt  }
0x65: {  	_ =	shalt  }
0x66: {  	_ =	shalt  }
0x67: {  	_ =	shalt  }
0x68: {  	_ =	shalt  }
0x69: {  	_ =	shalt  }
0x6a: {  	_ =	shalt  }
0x6b: {  	_ =	shalt  }
0x6c: {  	_ =	shalt  }
0x6d: {  	_ =	shalt  }
0x6e: {  	_ =	shalt  }
0x6f: {  	_ =	shalt  }
0x70: {  	_ =	shalt  }
0x71: {  	_ =	shalt  }
0x72: {  	_ =	shalt  }
0x73: {  	_ =	shalt  }
0x74: {  	_ =	shalt  }
0x75: {  	_ =	shalt  }
0x76: {  	_ =	shalt  }
0x77: {  	_ =	shalt  }
0x78: {  	_ =	shalt  }
0x79: {  	_ =	shalt  }
0x7a: {  	_ =	shalt  }
0x7b: {  	_ =	shalt  }
0x7c: {  	_ =	shalt  }
0x7d: {  	_ =	shalt  }
0x7e: {  	_ =	shalt  }
0x7f: {  	_ =	shalt  }
0x80: {  	_ =	shalt  }
0x81: {  	_ =	shalt  }
0x82: {  	_ =	shalt  }
0x83: {  	_ =	shalt  }
0x84: {  	_ =	shalt  }
0x85: {  	_ =	shalt  }
0x86: {  	_ =	shalt  }
0x87: {  	_ =	shalt  }
.Lfunc_end0:
.L_simem_size_0:
called_computation_lowered:
.L_overlay_start_0:
0x88: {  	s2 =	sld [smem:$0x3FD9]  }
0x89: {  	s3 =	sld [smem:$0x3FFE];
	_ =	sdelay $0x1  }
0x8a: {  	s1 =	srdreg.scid  }
0x8b: {  	s0 =	sand.u32 $0x1, s1  }
0x8c: {  	s17 =	sshll.u32 s0, $0xA;
	s2 =	sadd.s32 s3, s2  }
0x8d: {  	s2 =	sadd.s32 s2, s17  }
0x8e: {  	[smem:$0x3FC4] =	sst s2  }
0x8f: {  	_ = 	snop  }
0x90: {  	s2 =	sld [smem:$0x3FC7]  }
0x91: {  	s18 =	sld [smem:$0x3FD0];
	(tm) =	ssettm $0x1  }
0x92: {  	s4 =	sld [smem:$0x3FFB];
	_ =	sdelay $0x3  }
0x93: {  	_ =	strace s4  }
0x94: {  	s4 =	sld [smem:$0x3FFC];
	_ =	sdelay $0x3  }
0x95: {  	_ =	strace s4  }
0x96: {  	s4 =	sld [smem:$0x3FFD];
	_ =	sdelay $0x3  }
0x97: {  	_ =	strace s4  }
0x98: {  	_ =	strace $0x8FFFFFFF  }
0x99: {  	s19 =	sld [smem:$0x3FDB];
	_ =	sdelay $0x1  }
0x9a: {  	s5 =	simm.s32 $_scs_section_size  }
0x9b: {  	s6 =	simm.s32 $_size__tile_overlayer_lowered;
	s7 =	simm.s32 $_tile_overlayer_lowered  }
0x9c: {  	s22 =	simm.s32 $0x1BFF;
	s21 =	sshll.u32 s7, $0x1;
	s4 =	sadd.s32 s5, s19  }
0x9d: {  	s8 =	simm.s32 $0x0;
	s20 =	sshll.u32 s6, $0x1;
	s6 =	sadd.s32 s21, s4  }
0x9e: {  	[timem:s8], [sflag:s22] =	dma.local [hbm:s6], s20  }
0x9f: {  	_ =	swait.ge [sflag:s22], s20  }
0xa0: {  	s5 =	ssub.s32 $0x0, s20;
	[sflag:s22] =	ssyncset.done $0x0  }
0xa1: {  	[sflag:s22] =	ssyncadd.s32 s5;
	_ =	sdelay $0x1  }
0xa2: {  	s23 =	simm.s32 $0x1B8B  }
0xa3: {  	_ =	swait.ge [sflag:s23], $0x1  }
0xa4: {  	[sflag:s23] =	ssyncset.done $0x0  }
0xa5: {  	s25 =	simm.s32 $0x1B8E;
	s24 =	sld [smem:$0x3FFE];
	[sflag:s23] =	ssyncadd.s32 $0xFFFFFFFF  }
0xa6: {  	s26 =	simm.s32 $execute0_lowered;
	[smem:$0x3FD2] =	sst s25  }
0xa7: {  	s6 =	sshll.u32 s26, $0x1;
	_ =	strace $0x80000046;
	[dreg:$0x1] =	wrdreg $0xFFFFFFFF  }
0xa8: {  	s28 =	simm.s32 $_size_execute0_lowered;
	s4 =	sadd.s32 s4, s6;
	[dreg:$0x0] =	wrdreg $0x0  }
0xa9: {  	s6 =	sshll.u32 s28, $0x1;
	[dreg:$0x2] =	wrdreg s4  }
0xaa: {  	[dreg:$0x3] =	wrdreg s6  }
0xab: {  	[dreg:$0x4] =	wrdreg $0xC0  }
0xac: {  	_ =	task [dreg:s8], $0x5FFFF  }
0xad: {  	[dreg:$0x1] =	wrdreg $0xFFFFFFFF  }
0xae: {  	[dreg:$0x0] =	wrdreg $0x60  }
0xaf: {  	[dreg:$0x2] =	wrdreg s24  }
0xb0: {  	[dreg:$0x3] =	wrdreg s2  }
0xb1: {  	[dreg:$0x4] =	wrdreg s18  }
0xb2: {  	[dreg:$0x5] =	wrdreg $0x9  }
0xb3: {  	_ =	task.clear_ibuf [dreg:s8], $0x6FFFF;
	_ =	strace $0x90000046  }
0xb4: {  	s29 =	simm.s32 $0x9;
	_ =	strace $0x80000048  }
0xb5: {  	_ =	swait.ge [sflag:s29], $0x1  }
0xb6: {  	[sflag:s29] =	ssyncadd.s32 $0xFFFFFFFF  }
0xb7: {  	_ =	strace $0x90000048  }
0xb8: {  	_ =	sfence  }
0xb9: {  	s30 =	sld [smem:$0x0];
	_ =	sdelay $0x2  }
0xba: {  	s31 =	sshll.u32 s1, $0xD;
	s1 =	sshrl.u32 s1, $0x2  }
0xbb: {  	s3 =	sand.u32 $0x4000, s31;
	s1 =	sadd.s32 s1, s30  }
0xbc: {  	s0 =	sor.u32 s3, s0;
	s1 =	sshll.u32 s1, $0x11  }
0xbd: {  	s0 =	sor.u32 s1, s0  }
0xbe: {  	s0 =	sadd.s32 $0x8F2B, s0  }
0xbf: {  	[sflag:s0] =	ssyncadd.remote.s32 $0x1  }
0xc0: {  	_ =	sfence.sel $0xFFFF  }
0xc1: {  	[dreg:$0x0] =	wrdreg $0xFFFFFFFF;
	(pc) =	sbr.abs _section_cstart, $3  }
0xc2: {  	[dreg:$0x1] =	wrdreg $0xFFFFFFFF  }
0xc3: {  	_ =	task.clear_ibuf [dreg:s8], $0x2FFFF;
	_ =	strace $0x9FFFFFFF  }
0xc4: {  	(tm) =	ssettm $0x7FFFFFFF  }
0xc5: {  	_ =	shalt  }
tec
execute0_lowered:
.L_overlay_start_1:
0x0: {  	(tag) =	ssettag $0x1  }
0x1: {  	s5 =	rddreg [dreg:$0x0]  }
0x2: {  	s2 =	rddreg [dreg:$0x1]  }
0x3: {  	s1 =	srdreg.scid;
	s0 =	stileid.u32  }
0x4: {  	s9 =	rddreg [dreg:$0x2];
	s3 =	simm.s32 $0x0;
	s13 =	simm.s32 $0x12980  }
0x5: {  	s14 =	simm.s32 $0x1A680;
	s15 =	simm.s32 $0x3;
	s16 =	simm.s32 $0x1  }
0x6: {  	s17 =	simm.s32 $0x4E80;
	s18 =	simm.s32 $0x2;
	s19 =	simm.s32 $0x9CA0  }
0x7: {  	s4 =	sand.u32 $0x1, s1;
	s6 =	sshll.u32 s0, $0x1;
	s1 =	rddreg [dreg:$0x3]  }
0x8: {  	s20 =	simm.s32 $0x0;
	[smem:$0x7FF] =	sst s3;
	s6 =	sor.u32 s4, s6  }
0x9: {  	s7 =	ssub.s32 $0x2, s4;
	_ =	strace $0x80000047;
	s8 =	smul.u32 $0x9C4, s6  }
0xa: {  	s4 =	sadd.s32 $0x400, s5;
	s10 =	sshrl.u32 s7, $0x1;
	s11 =	smul.u32 $0x4E20, s6  }
0xb: {  	s6 =	sadd.s32 $0x7D0, s2;
	s10 =	ssub.s32 s7, s10;
	s12 =	sadd.s32 s8, s5  }
0xc: {  	s5 =	sadd.s32 $0xBD0, s5;
	s11 =	sshrl.u32 s11, $0x3;
	s8 =	sadd.s32 s9, s8  }
0xd: {  	s10 =	smax.u32 s10, $0x1;
	s7 =	sadd.s32 $0xA200, s12;
	s9 =	sadd.s32 s9, s11  }
0xe: {  	v0 =	vimm.f32 $0.0e+00;
	s11 =	simm.s32 $0xEB00;
	s12 =	simm.s32 $0x16800;
	s9 =	sadd.s32 $0x13880, s9  }
.LBB2_1:
0xf: {  	[tilespmem:s11], [sflag:$0x1] =	stream.linear.gather [hbm4b:s4+s3], $0x3E80, $0x38;
	[tilespmem:$0x1E500] =	vst v63  }
0x10: {  	_ = 	snop  }
0x11: {  	[tilespmem:s12], [sflag:$0x1] =	stream.linear.gather [hbm4b:s2+s3], $0x3E80, $0x38;
	[tilespmem:$0x1E500] =	vst v63  }
0x12: {  	_ = 	snop  }
0x13: {  	[tilespmem:s13], [sflag:$0x2] =	stream.linear.gather [hbm4b:s5+s3], $0x3E80, $0x38;
	[tilespmem:$0x1E500] =	vst v63  }
0x14: {  	_ = 	snop  }
0x15: {  	[tilespmem:s14], [sflag:$0x2] =	stream.linear.gather [hbm4b:s6+s3], $0x3E80, $0x38;
	[tilespmem:$0x1E500] =	vst v63  }
0x16: {  	_ = 	snop  }
0x17: {  	[tilespmem:s3], [sflag:$0x3] =	stream.linear.gather [hbm4b:s7+s3], $0x4E20, $0x38;
	[tilespmem:$0x1E500] =	vst v63  }
0x18: {  	_ =	swait.ge [sflag:s15], $0x4E20  }
0x19: {  	[sflag:s15] =	ssyncset.done $0x0  }
0x1a: {  	s21 =	simm.s32 $0x4EC0;
	[sflag:s15] =	ssyncadd.s32 $0xFFFFB1E0  }
0x1b: {  	[tilespmem:s21+$0xFFFFFFC0] =	vst v0  }
0x1c: {  	[tilespmem:s21+$0x30] =	vst v0  }
0x1d: {  	[tilespmem:s21+$0x20] =	vst v0  }
0x1e: {  	[tilespmem:s21+$0x10] =	vst v0  }
0x1f: {  	[tilespmem:s21+$0x0] =	vst v0  }
0x20: {  	[tilespmem:s21+$0xFFFFFFF0] =	vst v0  }
0x21: {  	s22 =	simm.s32 $0x0;
	[tilespmem:s21+$0xFFFFFFE0] =	vst v0  }
.LBB2_2:
0x22: {  	s22 =	sadd.s32 $0x8, s22;
	[tilespmem:s21+$0xFFFFFFD0] =	vst v0;
	s21 =	sadd.s32 $0x80, s21  }
0x23: {  	[tilespmem:s21+$0xFFFFFFC0] =	vst v0;
	p0 =	slt.u32 s22, $0x9B8  }
0x24: {  	[tilespmem:s21+$0x30] =	vst v0  }
.Ltmp0:
0x25: {  	[tilespmem:s21+$0x20] =	vst v0;
	(pc) =	sbr.rel @p0 .LBB2_2-.Ltmp0, $4  }
0x26: {  	[tilespmem:s21+$0x10] =	vst v0  }
0x27: {  	[tilespmem:s21+$0x0] =	vst v0  }
0x28: {  	[tilespmem:s21+$0xFFFFFFF0] =	vst v0  }
0x29: {  	[tilespmem:s21+$0xFFFFFFE0] =	vst v0  }
0x2a: {  	[tilespmem:s21+$0xFFFFFFD0] =	vst v0;
	s21 =	simm.s32 $0x0;
	s22 =	simm.s32 $0x0  }
.LBB2_4:
0x2b: {  	p0 =	sne.s32 s22, $0xC0  }
.Ltmp1:
0x2c: {  	_ = 	snop;
	(pc) =	sbr.rel @p0 .LBB2_4-.Ltmp1, $3  }
0x2d: {  	_ =	sdelay $0x1  }
0x2e: {  	s23 =	sshra.s32 s22, $0x2  }
0x2f: {  	s22 =	sadd.s32 $0x40, s22;
	[tilespmem:s23+$0xEA80] =	vst v0  }
.LBB2_5:
0x30: {  	_ =	swait.ge [sflag:s16], $0x3E80  }
0x31: {  	[sflag:s16] =	ssyncset.done $0x0  }
0x32: {  	[sflag:s16] =	ssyncadd.s32 $0xFFFFC180  }
0x33: {  	_ =	swait.ge [sflag:s16], $0x3E80  }
0x34: {  	[sflag:s16] =	ssyncset.done $0x0  }
0x35: {  	s22 =	simm.s32 $0xEB20;
	[sflag:s16] =	ssyncadd.s32 $0xFFFFC180  }
0x36: {  	v1 =	vld [tilespmem:s22+$0x10]  }
0x37: {  	v3 =	vld [tilespmem:s22+$0xFFFFFFE0];
	_ =	sdelay $0x3  }
0x38: {  	v5 =	vand.u32 $0x3FFF, v1  }
0x39: {  	v2 =	vld [tilespmem:s22+$0xFFFFFFF0];
	v7 =	vand.u32 $0x3FFF, v3  }
0x3a: {  	v4 =	vld [tilespmem:s22+$0x0]  }
0x3b: {  	s30 =	simm.s32 $0x16820  }
0x3c: {  	v10 =	vld [tilespmem:s30+$0x10]  }
0x3d: {  	v9 =	vld.idx.msk [tilespmem:v5+s3+$0x0], $0xffff  }
0x3e: {  	v6 =	vand.u32 $0x3FFF, v2;
	v12 =	vld.idx.msk [tilespmem:v7+s3+$0x0], $0xffff  }
0x3f: {  	v13 =	vld [tilespmem:s30+$0xFFFFFFE0];
	v8 =	vand.u32 $0x3FFF, v4  }
0x40: {  	v1 =	vshrl.u32 v1, $0xE  }
0x41: {  	v17 =	vld [tilespmem:s30+$0xFFFFFFF0];
	v3 =	vshrl.u32 v3, $0xE  }
0x42: {  	v19 =	vld [tilespmem:s30+$0x0];
	v14 =	vadd.s32 $0x4E20, v1;
	v16 =	vshll.u32 v9, $0x10  }
0x43: {  	v18 =	vadd.s32 $0x4E20, v3;
	v11 =	vld.idx.msk [tilespmem:v6+s3+$0x0], $0xffff;
	v20 =	vshll.u32 v12, $0x10;
	v16 =	vmul.f32 v16, v10  }
0x44: {  	v15 =	vld.idx.msk [tilespmem:v8+s3+$0x0], $0xffff;
	v5 =	vadd.s32 $0x2710, v5;
	v9 =	vand.u32 $0xFFFF0000, v9;
	v20 =	vmul.f32 v20, v13  }
0x45: {  	v7 =	vadd.s32 $0x2710, v7;
	v12 =	vand.u32 $0xFFFF0000, v12;
	v9 =	vmul.f32 v9, v10;
	[tilespmem:v1+s17+$0x0] =	vst.idx.add.f32.msk $0xffff, v16  }
0x46: {  	v2 =	vshrl.u32 v2, $0xE;
	v12 =	vmul.f32 v12, v13;
	[tilespmem:v3+s17+$0x0] =	vst.idx.add.f32.msk $0xffff, v20  }
0x47: {  	v52 =	vadd.s32 $0x4E20, v2;
	[tilespmem:v14+s17+$0x0] =	vst.idx.add.f32.msk $0xffff, v9  }
0x48: {  	v9 =	vshrl.u32 v4, $0xE;
	v4 =	vshll.u32 v11, $0x10;
	[tilespmem:v18+s17+$0x0] =	vst.idx.add.f32.msk $0xffff, v12  }
0x49: {  	v11 =	vand.u32 $0xFFFF0000, v11;
	v5 =	vld.idx.msk [tilespmem:v5+s3+$0x0], $0xffff;
	v14 =	vadd.s32 $0x4E20, v9;
	v4 =	vmul.f32 v4, v17  }
0x4a: {  	v53 =	vshll.u32 v15, $0x10;
	v11 =	vmul.f32 v11, v17;
	v7 =	vld.idx.msk [tilespmem:v7+s3+$0x0], $0xffff  }
0x4b: {  	v6 =	vadd.s32 $0x2710, v6;
	v12 =	vand.u32 $0xFFFF0000, v15;
	v15 =	vmul.f32 v53, v19;
	[tilespmem:v2+s17+$0x0] =	vst.idx.add.f32.msk $0xffff, v4  }
0x4c: {  	v4 =	vmul.f32 v12, v19;
	[tilespmem:v52+s17+$0x0] =	vst.idx.add.f32.msk $0xffff, v11;
	v11 =	vadd.s32 $0x2710, v1  }
0x4d: {  	[tilespmem:v9+s17+$0x0] =	vst.idx.add.f32.msk $0xffff, v15  }
0x4e: {  	s31 =	simm.s32 $0xEB60;
	v1 =	vadd.s32 $0x7530, v1;
	[tilespmem:v14+s17+$0x0] =	vst.idx.add.f32.msk $0xffff, v4;
	v4 =	vshll.u32 v5, $0x10  }
0x4f: {  	v12 =	vld [tilespmem:s31+$0xFFFFFFE0];
	v4 =	vmul.f32 v4, v10  }
0x50: {  	v6 =	vld.idx.msk [tilespmem:v6+s3+$0x0], $0xffff;
	v5 =	vand.u32 $0xFFFF0000, v5  }
0x51: {  	v5 =	vmul.f32 v5, v10;
	v10 =	vadd.s32 $0x2710, v3;
	[tilespmem:v11+s17+$0x0] =	vst.idx.add.f32.msk $0xffff, v4  }
0x52: {  	v4 =	vadd.s32 $0x2710, v8;
	v8 =	vld [tilespmem:s31+$0x10]  }
0x53: {  	v3 =	vadd.s32 $0x7530, v3;
	[tilespmem:v1+s17+$0x0] =	vst.idx.add.f32.msk $0xffff, v5;
	v5 =	vshll.u32 v7, $0x10  }
0x54: {  	v14 =	vld [tilespmem:s31+$0x0];
	v5 =	vmul.f32 v5, v13  }
0x55: {  	v11 =	vld [tilespmem:s31+$0xFFFFFFF0];
	v1 =	vadd.s32 $0x2710, v2;
	v7 =	vand.u32 $0xFFFF0000, v7  }
0x56: {  	v2 =	vadd.s32 $0x7530, v2;
	v7 =	vmul.f32 v7, v13;
	[tilespmem:v10+s17+$0x0] =	vst.idx.add.f32.msk $0xffff, v5  }
0x57: {  	v15 =	vshll.u32 v6, $0x10;
	v13 =	vld.idx.msk [tilespmem:v4+s3+$0x0], $0xffff;
	v54 =	vand.u32 $0x3FFF, v8  }
0x58: {  	s22 =	simm.s32 $0x16860;
	v4 =	vand.u32 $0xFFFF0000, v6;
	v6 =	vmul.f32 v15, v17;
	[tilespmem:v3+s17+$0x0] =	vst.idx.add.f32.msk $0xffff, v7;
	v3 =	vand.u32 $0x3FFF, v12  }
0x59: {  	v15 =	vld [tilespmem:s22+$0x10];
	v4 =	vmul.f32 v4, v17  }
0x5a: {  	[tilespmem:v1+s17+$0x0] =	vst.idx.add.f32.msk $0xffff, v6  }
0x5b: {  	v5 =	vand.u32 $0x3FFF, v11;
	[tilespmem:v2+s17+$0x0] =	vst.idx.add.f32.msk $0xffff, v4  }
0x5c: {  	v7 =	vand.u32 $0x3FFF, v14;
	v2 =	vld.idx.msk [tilespmem:v54+s3+$0x0], $0xffff  }
0x5d: {  	v56 =	vld.idx.msk [tilespmem:v3+s3+$0x0], $0xffff  }
0x5e: {  	v55 =	vadd.s32 $0x2710, v9;
	v6 =	vld [tilespmem:s22+$0xFFFFFFE0]  }
0x5f: {  	v8 =	vshrl.u32 v8, $0xE;
	v4 =	vld [tilespmem:s22+$0xFFFFFFF0]  }
0x60: {  	v12 =	vshrl.u32 v12, $0xE;
	v58 =	vshrl.u32 v11, $0xE;
	v10 =	vld.idx.msk [tilespmem:v5+s3+$0x0], $0xffff;
	v1 =	vshll.u32 v13, $0x10  }
0x61: {  	v21 =	vadd.s32 $0x4E20, v8;
	v57 =	vld.idx.msk [tilespmem:v7+s3+$0x0], $0xffff;
	v22 =	vmul.f32 v1, v19;
	v23 =	vshll.u32 v2, $0x10  }
0x62: {  	v16 =	vadd.s32 $0x2710, v54;
	v1 =	vld [tilespmem:s22+$0x0];
	v11 =	vshll.u32 v56, $0x10;
	v23 =	vmul.f32 v23, v15  }
0x63: {  	v24 =	vadd.s32 $0x4E20, v12;
	[tilespmem:v55+s17+$0x0] =	vst.idx.add.f32.msk $0xffff, v22;
	v2 =	vand.u32 $0xFFFF0000, v2;
	v11 =	vmul.f32 v11, v6  }
0x64: {  	v60 =	vshrl.u32 v14, $0xE;
	v2 =	vmul.f32 v2, v15;
	[tilespmem:v8+s17+$0x0] =	vst.idx.add.f32.msk $0xffff, v23  }
0x65: {  	v18 =	vand.u32 $0xFFFF0000, v56;
	[tilespmem:v12+s17+$0x0] =	vst.idx.add.f32.msk $0xffff, v11  }
0x66: {  	v61 =	vadd.s32 $0x4E20, v60;
	v14 =	vmul.f32 v18, v6;
	v11 =	vshll.u32 v57, $0x10;
	[tilespmem:v21+s17+$0x0] =	vst.idx.add.f32.msk $0xffff, v2  }
0x67: {  	v3 =	vadd.s32 $0x2710, v3;
	v2 =	vshll.u32 v10, $0x10;
	v11 =	vmul.f32 v11, v1;
	v16 =	vld.idx.msk [tilespmem:v16+s3+$0x0], $0xffff  }
0x68: {  	v59 =	vadd.s32 $0x4E20, v58;
	[tilespmem:v24+s17+$0x0] =	vst.idx.add.f32.msk $0xffff, v14;
	v14 =	vand.u32 $0xFFFF0000, v57;
	v2 =	vmul.f32 v2, v4  }
0x69: {  	v5 =	vadd.s32 $0x2710, v5;
	v14 =	vmul.f32 v14, v1;
	[tilespmem:v60+s17+$0x0] =	vst.idx.add.f32.msk $0xffff, v11  }
0x6a: {  	v62 =	vadd.s32 $0x2710, v8;
	v10 =	vand.u32 $0xFFFF0000, v10;
	[tilespmem:v58+s17+$0x0] =	vst.idx.add.f32.msk $0xffff, v2  }
0x6b: {  	v63 =	vadd.s32 $0x7530, v8;
	v10 =	vmul.f32 v10, v4;
	[tilespmem:v61+s17+$0x0] =	vst.idx.add.f32.msk $0xffff, v14  }
0x6c: {  	v11 =	vadd.s32 $0x2710, v12;
	v14 =	vld.idx.msk [tilespmem:v3+s3+$0x0], $0xffff;
	v8 =	vshll.u32 v16, $0x10  }
0x6d: {  	[tilespmem:v59+s17+$0x0] =	vst.idx.add.f32.msk $0xffff, v10;
	v10 =	vadd.s32 $0x2710, v7;
	v3 =	vand.u32 $0xFFFF0000, v16;
	v7 =	vmul.f32 v8, v15  }
0x6e: {  	v12 =	vadd.s32 $0x7530, v12;
	v8 =	vand.u32 $0xFFFF0000, v13;
	v13 =	vld.idx.msk [tilespmem:v5+s3+$0x0], $0xffff;
	v15 =	vmul.f32 v3, v15  }
0x6f: {  	v2 =	vadd.s32 $0x7530, v9;
	v9 =	vadd.s32 $0x2710, v58;
	v3 =	vadd.s32 $0x2710, v60;
	[tilespmem:v62+s17+$0x0] =	vst.idx.add.f32.msk $0xffff, v7  }
0x70: {  	s23 =	simm.s32 $0x4;
	s24 =	simm.s32 $0xEBA0;
	v5 =	vmul.f32 v8, v19;
	v8 =	vadd.s32 $0x7530, v58;
	v7 =	vadd.s32 $0x7530, v60;
	[tilespmem:v63+s17+$0x0] =	vst.idx.add.f32.msk $0xffff, v15  }
.LBB2_6:
0x71: {  	v15 =	vld [tilespmem:s24+$0x10]  }
0x72: {  	v16 =	vld [tilespmem:s24+$0xFFFFFFF0]  }
0x73: {  	s23 =	sadd.s32 $0x4, s23;
	v18 =	vshll.u32 v14, $0x10;
	v14 =	vand.u32 $0xFFFF0000, v14;
	v17 =	vld [tilespmem:s24+$0x0]  }
0x74: {  	p0 =	slt.u32 s23, $0x3E4;
	v18 =	vmul.f32 v18, v6;
	v20 =	vshll.u32 v13, $0x10;
	v13 =	vand.u32 $0xFFFF0000, v13;
	v19 =	vld [tilespmem:s24+$0xFFFFFFE0]  }
0x75: {  	v6 =	vmul.f32 v14, v6;
	v14 =	vmul.f32 v20, v4;
	v20 =	vld.idx.msk [tilespmem:v10+s3+$0x0], $0xffff  }
0x76: {  	v4 =	vmul.f32 v13, v4;
	v21 =	vand.u32 $0x3FFF, v15;
	[tilespmem:v11+s17+$0x0] =	vst.idx.add.f32.msk $0xffff, v18  }
0x77: {  	v13 =	vand.u32 $0x3FFF, v16;
	v16 =	vshrl.u32 v16, $0xE;
	[tilespmem:v12+s17+$0x0] =	vst.idx.add.f32.msk $0xffff, v6  }
0x78: {  	v18 =	vadd.s32 $0x4E20, v16;
	v6 =	vand.u32 $0x3FFF, v17;
	v17 =	vshrl.u32 v17, $0xE;
	[tilespmem:v9+s17+$0x0] =	vst.idx.add.f32.msk $0xffff, v14  }
0x79: {  	v14 =	vand.u32 $0x3FFF, v19;
	v19 =	vshrl.u32 v19, $0xE;
	v22 =	vadd.s32 $0x4E20, v17;
	[tilespmem:v8+s17+$0x0] =	vst.idx.add.f32.msk $0xffff, v4  }
0x7a: {  	v25 =	vadd.s32 $0x2710, v13;
	v23 =	vadd.s32 $0x4E20, v19;
	v24 =	vadd.s32 $0x2710, v14;
	[tilespmem:v2+s17+$0x0] =	vst.idx.add.f32.msk $0xffff, v5;
	v2 =	vmovc v7  }
0x7b: {  	v10 =	vadd.s32 $0x2710, v6;
	v4 =	vshll.u32 v20, $0x10;
	v5 =	vand.u32 $0xFFFF0000, v20;
	v26 =	vld.idx.msk [tilespmem:v21+s3+$0x0], $0xffff  }
0x7c: {  	s22 =	sadd.s32 $0x40, s22;
	v11 =	vadd.s32 $0x2710, v19;
	v20 =	vmul.f32 v4, v1;
	v5 =	vmul.f32 v5, v1;
	v13 =	vld.idx.msk [tilespmem:v13+s3+$0x0], $0xffff  }
0x7d: {  	v9 =	vadd.s32 $0x2710, v16;
	v8 =	vadd.s32 $0x7530, v16;
	v12 =	vadd.s32 $0x7530, v19;
	v27 =	vld [tilespmem:s22+$0x10]  }
0x7e: {  	v28 =	vadd.s32 $0x2710, v17;
	v7 =	vadd.s32 $0x7530, v17;
	v14 =	vld.idx.msk [tilespmem:v14+s3+$0x0], $0xffff  }
0x7f: {  	v15 =	vshrl.u32 v15, $0xE;
	v29 =	vld.idx.msk [tilespmem:v6+s3+$0x0], $0xffff  }
0x80: {  	v30 =	vadd.s32 $0x4E20, v15;
	v6 =	vld [tilespmem:s22+$0xFFFFFFE0]  }
0x81: {  	v21 =	vadd.s32 $0x2710, v21;
	v31 =	vshll.u32 v26, $0x10;
	v4 =	vld [tilespmem:s22+$0xFFFFFFF0]  }
0x82: {  	v26 =	vand.u32 $0xFFFF0000, v26;
	v32 =	vshll.u32 v13, $0x10;
	v1 =	vld [tilespmem:s22+$0x0];
	v31 =	vmul.f32 v31, v27  }
0x83: {  	v13 =	vand.u32 $0xFFFF0000, v13;
	v26 =	vmul.f32 v26, v27;
	[tilespmem:v3+s17+$0x0] =	vst.idx.add.f32.msk $0xffff, v20;
	v3 =	vmov v28  }
0x84: {  	v20 =	vshll.u32 v14, $0x10;
	v14 =	vand.u32 $0xFFFF0000, v14;
	[tilespmem:v15+s17+$0x0] =	vst.idx.add.f32.msk $0xffff, v31  }
0x85: {  	v28 =	vshll.u32 v29, $0x10;
	v29 =	vand.u32 $0xFFFF0000, v29;
	v20 =	vmul.f32 v20, v6;
	[tilespmem:v30+s17+$0x0] =	vst.idx.add.f32.msk $0xffff, v26  }
0x86: {  	v14 =	vmul.f32 v14, v6;
	v26 =	vmul.f32 v32, v4;
	v21 =	vld.idx.msk [tilespmem:v21+s3+$0x0], $0xffff  }
0x87: {  	v13 =	vmul.f32 v13, v4;
	[tilespmem:v19+s17+$0x0] =	vst.idx.add.f32.msk $0xffff, v20;
	v19 =	vmul.f32 v28, v1  }
0x88: {  	[tilespmem:v23+s17+$0x0] =	vst.idx.add.f32.msk $0xffff, v14;
	v14 =	vmul.f32 v29, v1  }
0x89: {  	[tilespmem:v16+s17+$0x0] =	vst.idx.add.f32.msk $0xffff, v26  }
0x8a: {  	v16 =	vadd.s32 $0x2710, v15;
	[tilespmem:v18+s17+$0x0] =	vst.idx.add.f32.msk $0xffff, v13  }
0x8b: {  	v15 =	vadd.s32 $0x7530, v15;
	[tilespmem:v17+s17+$0x0] =	vst.idx.add.f32.msk $0xffff, v19  }
.Ltmp2:
0x8c: {  	v13 =	vshll.u32 v21, $0x10;
	[tilespmem:v22+s17+$0x0] =	vst.idx.add.f32.msk $0xffff, v14;
	(pc) =	sbr.rel @p0 .LBB2_6-.Ltmp2, $4  }
0x8d: {  	v17 =	vand.u32 $0xFFFF0000, v21;
	v18 =	vmul.f32 v13, v27;
	v14 =	vld.idx.msk [tilespmem:v24+s3+$0x0], $0xffff  }
0x8e: {  	v17 =	vmul.f32 v17, v27;
	v13 =	vld.idx.msk [tilespmem:v25+s3+$0x0], $0xffff  }
0x8f: {  	[tilespmem:v16+s17+$0x0] =	vst.idx.add.f32.msk $0xffff, v18  }
0x90: {  	s24 =	sadd.s32 $0x40, s24;
	[tilespmem:v15+s17+$0x0] =	vst.idx.add.f32.msk $0xffff, v17  }
0x91: {  	_ =	sdelay $0x3  }
0x92: {  	v10 =	vld.idx.msk [tilespmem:v10+s3+$0x0], $0xffff;
	v15 =	vshll.u32 v14, $0x10  }
0x93: {  	v14 =	vand.u32 $0xFFFF0000, v14;
	v15 =	vmul.f32 v15, v6  }
0x94: {  	v16 =	vshll.u32 v13, $0x10;
	v6 =	vmul.f32 v14, v6  }
0x95: {  	v13 =	vand.u32 $0xFFFF0000, v13;
	v14 =	vmul.f32 v16, v4;
	[tilespmem:v11+s17+$0x0] =	vst.idx.add.f32.msk $0xffff, v15  }
0x96: {  	s22 =	sshll.u32 s21, $0x1;
	v4 =	vmul.f32 v13, v4;
	[tilespmem:v12+s17+$0x0] =	vst.idx.add.f32.msk $0xffff, v6  }
0x97: {  	s23 =	sadd.s32 $0x2, s22;
	[tilespmem:v9+s17+$0x0] =	vst.idx.add.f32.msk $0xffff, v14;
	v6 =	vshll.u32 v10, $0x10  }
0x98: {  	s24 =	smul.u32 $0x7D0, s23;
	[tilespmem:v8+s17+$0x0] =	vst.idx.add.f32.msk $0xffff, v4;
	v4 =	vand.u32 $0xFFFF0000, v10;
	v6 =	vmul.f32 v6, v1  }
0x99: {  	[tilespmem:v2+s17+$0x0] =	vst.idx.add.f32.msk $0xffff, v5;
	p0 =	seq.s32 s23, $0x14;
	v1 =	vmul.f32 v4, v1  }
0x9a: {  	s24 =	simm.s32 @p0 $0x0;
	[tilespmem:v3+s17+$0x0] =	vst.idx.add.f32.msk $0xffff, v6  }
0x9b: {  	s25 =	simm.s32 $0x0;
	s31 =	sadd.s32 s4, s24;
	[tilespmem:v7+s17+$0x0] =	vst.idx.add.f32.msk $0xffff, v1  }
0x9c: {  	[tilespmem:s11], [sflag:$0x1] =	stream.linear.gather [hbm4b:s31+s25], $0x3E80, $0x38;
	[tilespmem:$0x1E500] =	vst v63  }
0x9d: {  	s24 =	sadd.s32 s2, s24  }
0x9e: {  	[tilespmem:s12], [sflag:$0x1] =	stream.linear.gather [hbm4b:s24+s25], $0x3E80, $0x38;
	[tilespmem:$0x1E500] =	vst v63  }
0x9f: {  	_ =	swait.ge [sflag:s18], $0x3E80  }
0xa0: {  	[sflag:s18] =	ssyncset.done $0x0  }
0xa1: {  	[sflag:s18] =	ssyncadd.s32 $0xFFFFC180  }
0xa2: {  	_ =	swait.ge [sflag:s18], $0x3E80  }
0xa3: {  	[sflag:s18] =	ssyncset.done $0x0  }
0xa4: {  	s26 =	simm.s32 $0x129B0;
	[sflag:s18] =	ssyncadd.s32 $0xFFFFC180  }
0xa5: {  	v1 =	vld [tilespmem:s26+$0x0];
	_ =	sdelay $0x1  }
0xa6: {  	s28 =	sand.u32 $0x3FC0, s25  }
0xa7: {  	v2 =	vld [tilespmem:s28+$0x12980];
	_ =	sdelay $0x1  }
0xa8: {  	v5 =	vand.u32 $0x3FFF, v1  }
0xa9: {  	v3 =	vld [tilespmem:s26+$0xFFFFFFE0]  }
0xaa: {  	v4 =	vld [tilespmem:s26+$0xFFFFFFF0]  }
0xab: {  	v6 =	vand.u32 $0x3FFF, v2;
	_ =	sdelay $0x1  }
0xac: {  	s29 =	simm.s32 $0x1A6B0;
	v9 =	vld.idx.msk [tilespmem:v5+s3+$0x0], $0xffff  }
0xad: {  	v10 =	vld [tilespmem:s29+$0x0];
	v7 =	vand.u32 $0x3FFF, v3  }
0xae: {  	v13 =	vld [tilespmem:s28+$0x1A680];
	v8 =	vand.u32 $0x3FFF, v4  }
0xaf: {  	v1 =	vshrl.u32 v1, $0xE;
	v11 =	vld.idx.msk [tilespmem:v6+s3+$0x0], $0xffff  }
0xb0: {  	v17 =	vld [tilespmem:s29+$0xFFFFFFE0];
	v14 =	vadd.s32 $0x4E20, v1  }
0xb1: {  	v19 =	vld [tilespmem:s29+$0xFFFFFFF0];
	v5 =	vadd.s32 $0x2710, v5;
	v16 =	vshll.u32 v9, $0x10  }
0xb2: {  	v2 =	vshrl.u32 v2, $0xE;
	v12 =	vld.idx.msk [tilespmem:v7+s3+$0x0], $0xffff;
	v9 =	vand.u32 $0xFFFF0000, v9;
	v16 =	vmul.f32 v16, v10  }
0xb3: {  	v18 =	vadd.s32 $0x4E20, v2;
	v15 =	vld.idx.msk [tilespmem:v8+s3+$0x0], $0xffff;
	v9 =	vmul.f32 v9, v10  }
0xb4: {  	v6 =	vadd.s32 $0x2710, v6;
	v20 =	vshll.u32 v11, $0x10;
	[tilespmem:v1+s17+$0x0] =	vst.idx.add.f32.msk $0xffff, v16  }
0xb5: {  	v3 =	vshrl.u32 v3, $0xE;
	v11 =	vand.u32 $0xFFFF0000, v11;
	v16 =	vmul.f32 v20, v13;
	[tilespmem:v14+s17+$0x0] =	vst.idx.add.f32.msk $0xffff, v9  }
0xb6: {  	v11 =	vmul.f32 v11, v13;
	v5 =	vld.idx.msk [tilespmem:v5+s3+$0x0], $0xffff  }
0xb7: {  	v9 =	vadd.s32 $0x4E20, v3;
	v14 =	vshll.u32 v12, $0x10;
	[tilespmem:v2+s17+$0x0] =	vst.idx.add.f32.msk $0xffff, v16  }
0xb8: {  	v4 =	vshrl.u32 v4, $0xE;
	v14 =	vmul.f32 v14, v17;
	[tilespmem:v18+s17+$0x0] =	vst.idx.add.f32.msk $0xffff, v11  }
0xb9: {  	v7 =	vadd.s32 $0x2710, v7;
	v12 =	vand.u32 $0xFFFF0000, v12;
	v16 =	vadd.s32 $0x4E20, v4;
	v6 =	vld.idx.msk [tilespmem:v6+s3+$0x0], $0xffff  }
0xba: {  	s30 =	simm.s32 $0x129F0;
	v12 =	vmul.f32 v12, v17;
	v11 =	vshll.u32 v15, $0x10;
	v15 =	vand.u32 $0xFFFF0000, v15;
	[tilespmem:v3+s17+$0x0] =	vst.idx.add.f32.msk $0xffff, v14  }
0xbb: {  	v11 =	vmul.f32 v11, v19;
	v14 =	vmul.f32 v15, v19;
	v15 =	vld [tilespmem:s30+$0xFFFFFFE0]  }
0xbc: {  	[tilespmem:v9+s17+$0x0] =	vst.idx.add.f32.msk $0xffff, v12;
	v9 =	vadd.s32 $0x2710, v1  }
0xbd: {  	[tilespmem:v4+s17+$0x0] =	vst.idx.add.f32.msk $0xffff, v11;
	v1 =	vadd.s32 $0x7530, v1  }
0xbe: {  	[tilespmem:v16+s17+$0x0] =	vst.idx.add.f32.msk $0xffff, v14;
	v11 =	vshll.u32 v5, $0x10  }
0xbf: {  	v7 =	vld.idx.msk [tilespmem:v7+s3+$0x0], $0xffff;
	v5 =	vand.u32 $0xFFFF0000, v5;
	v11 =	vmul.f32 v11, v10  }
0xc0: {  	v12 =	vadd.s32 $0x2710, v2;
	v14 =	vld [tilespmem:s30+$0x0];
	v5 =	vmul.f32 v5, v10  }
0xc1: {  	s23 =	simm.s32 $0x40;
	v2 =	vadd.s32 $0x7530, v2;
	[tilespmem:v9+s17+$0x0] =	vst.idx.add.f32.msk $0xffff, v11  }
0xc2: {  	s31 =	sand.u32 $0x3FC0, s23;
	v9 =	vshll.u32 v6, $0x10;
	v6 =	vand.u32 $0xFFFF0000, v6;
	[tilespmem:v1+s17+$0x0] =	vst.idx.add.f32.msk $0xffff, v5  }
0xc3: {  	s24 =	simm.s32 $0x1A6F0;
	v1 =	vadd.s32 $0x2710, v8;
	v5 =	vmul.f32 v9, v13;
	v8 =	vld [tilespmem:s31+$0x12980];
	v9 =	vadd.s32 $0x2710, v3  }
0xc4: {  	v11 =	vld [tilespmem:s24+$0x0];
	v3 =	vadd.s32 $0x7530, v3;
	v6 =	vmul.f32 v6, v13  }
0xc5: {  	v10 =	vand.u32 $0x3FFF, v14;
	[tilespmem:v12+s17+$0x0] =	vst.idx.add.f32.msk $0xffff, v5;
	v5 =	vshll.u32 v7, $0x10  }
0xc6: {  	[tilespmem:v2+s17+$0x0] =	vst.idx.add.f32.msk $0xffff, v6;
	v2 =	vand.u32 $0xFFFF0000, v7;
	v5 =	vmul.f32 v5, v17  }
0xc7: {  	v12 =	vld [tilespmem:s30+$0xFFFFFFF0];
	v2 =	vmul.f32 v2, v17  }
0xc8: {  	v7 =	vand.u32 $0x3FFF, v8;
	[tilespmem:v9+s17+$0x0] =	vst.idx.add.f32.msk $0xffff, v5  }
0xc9: {  	v5 =	vand.u32 $0x3FFF, v15;
	[tilespmem:v3+s17+$0x0] =	vst.idx.add.f32.msk $0xffff, v2  }
0xca: {  	v3 =	vld.idx.msk [tilespmem:v10+s3+$0x0], $0xffff  }
0xcb: {  	v13 =	vld [tilespmem:s31+$0x1A680]  }
0xcc: {  	v6 =	vld.idx.msk [tilespmem:v1+s3+$0x0], $0xffff;
	v9 =	vand.u32 $0x3FFF, v12  }
0xcd: {  	v18 =	vshrl.u32 v14, $0xE;
	v16 =	vld.idx.msk [tilespmem:v7+s3+$0x0], $0xffff  }
0xce: {  	v14 =	vadd.s32 $0x4E20, v18;
	v21 =	vadd.s32 $0x2710, v10;
	v1 =	vadd.s32 $0x7530, v4;
	v17 =	vld.idx.msk [tilespmem:v5+s3+$0x0], $0xffff  }
0xcf: {  	v22 =	vshrl.u32 v8, $0xE;
	v15 =	vshrl.u32 v15, $0xE;
	v10 =	vld [tilespmem:s24+$0xFFFFFFE0];
	v20 =	vshll.u32 v3, $0x10  }
0xd0: {  	v2 =	vadd.s32 $0x2710, v4;
	v8 =	vand.u32 $0xFFFF0000, v3;
	v3 =	vld [tilespmem:s24+$0xFFFFFFF0];
	v20 =	vmul.f32 v20, v11  }
0xd1: {  	v23 =	vadd.s32 $0x4E20, v22;
	v7 =	vadd.s32 $0x2710, v7;
	v4 =	vld.idx.msk [tilespmem:v9+s3+$0x0], $0xffff;
	v8 =	vmul.f32 v8, v11  }
0xd2: {  	[tilespmem:v18+s17+$0x0] =	vst.idx.add.f32.msk $0xffff, v20;
	v20 =	vshrl.u32 v12, $0xE;
	v25 =	vshll.u32 v16, $0x10;
	v12 =	vand.u32 $0xFFFF0000, v16  }
0xd3: {  	[tilespmem:v14+s17+$0x0] =	vst.idx.add.f32.msk $0xffff, v8;
	v8 =	vadd.s32 $0x2710, v9;
	v9 =	vshll.u32 v17, $0x10;
	v16 =	vmul.f32 v25, v13  }
0xd4: {  	v24 =	vadd.s32 $0x4E20, v15;
	v21 =	vld.idx.msk [tilespmem:v21+s3+$0x0], $0xffff;
	v9 =	vmul.f32 v9, v10  }
0xd5: {  	v63 =	vadd.s32 $0x2710, v5;
	v14 =	vand.u32 $0xFFFF0000, v17;
	v12 =	vmul.f32 v12, v13;
	[tilespmem:v22+s17+$0x0] =	vst.idx.add.f32.msk $0xffff, v16  }
0xd6: {  	v5 =	vadd.s32 $0x2710, v15;
	v26 =	vadd.s32 $0x4E20, v20;
	v17 =	vmul.f32 v14, v10;
	[tilespmem:v15+s17+$0x0] =	vst.idx.add.f32.msk $0xffff, v9  }
0xd7: {  	v16 =	vshll.u32 v6, $0x10;
	v6 =	vand.u32 $0xFFFF0000, v6;
	v9 =	vadd.s32 $0x2710, v20;
	[tilespmem:v23+s17+$0x0] =	vst.idx.add.f32.msk $0xffff, v12  }
0xd8: {  	v12 =	vshll.u32 v4, $0x10;
	v14 =	vld.idx.msk [tilespmem:v7+s3+$0x0], $0xffff;
	v7 =	vmul.f32 v16, v19;
	v16 =	vand.u32 $0xFFFF0000, v4  }
0xd9: {  	[tilespmem:v24+s17+$0x0] =	vst.idx.add.f32.msk $0xffff, v17;
	v23 =	vmul.f32 v12, v3;
	v4 =	vmul.f32 v6, v19;
	v19 =	vadd.s32 $0x2710, v18  }
0xda: {  	v12 =	vadd.s32 $0x7530, v15;
	v18 =	vadd.s32 $0x7530, v18;
	v17 =	vld.idx.msk [tilespmem:v63+s3+$0x0], $0xffff;
	v16 =	vmul.f32 v16, v3  }
0xdb: {  	v6 =	vadd.s32 $0x7530, v20;
	v15 =	vadd.s32 $0x2710, v22;
	[tilespmem:v20+s17+$0x0] =	vst.idx.add.f32.msk $0xffff, v23;
	v20 =	vshll.u32 v21, $0x10  }
0xdc: {  	s25 =	simm.s32 $0x4;
	s26 =	simm.s32 $0x12A30;
	v21 =	vand.u32 $0xFFFF0000, v21;
	[tilespmem:v26+s17+$0x0] =	vst.idx.add.f32.msk $0xffff, v16;
	v16 =	vadd.s32 $0x7530, v22;
	v20 =	vmul.f32 v20, v11  }
.LBB2_8:
0xdd: {  	v22 =	vld [tilespmem:s26+$0x0];
	v23 =	vshll.u32 v14, $0x10;
	v11 =	vmul.f32 v21, v11  }
0xde: {  	v14 =	vand.u32 $0xFFFF0000, v14;
	v21 =	vmul.f32 v23, v13;
	[tilespmem:v19+s17+$0x0] =	vst.idx.add.f32.msk $0xffff, v20  }
0xdf: {  	v13 =	vmul.f32 v14, v13;
	[tilespmem:v18+s17+$0x0] =	vst.idx.add.f32.msk $0xffff, v11  }
0xe0: {  	s23 =	sadd.s32 $0x40, s23;
	[tilespmem:v15+s17+$0x0] =	vst.idx.add.f32.msk $0xffff, v21  }
0xe1: {  	s28 =	sand.u32 $0x3FC0, s23;
	[tilespmem:v16+s17+$0x0] =	vst.idx.add.f32.msk $0xffff, v13  }
0xe2: {  	v11 =	vshll.u32 v17, $0x10;
	v13 =	vand.u32 $0xFFFF0000, v17;
	v14 =	vld [tilespmem:s28+$0x12980]  }
0xe3: {  	s25 =	sadd.s32 $0x4, s25;
	v11 =	vmul.f32 v11, v10;
	v10 =	vmul.f32 v13, v10;
	v15 =	vld [tilespmem:s26+$0xFFFFFFE0]  }
0xe4: {  	p0 =	slt.u32 s25, $0x3E4;
	v16 =	vand.u32 $0x3FFF, v22;
	v13 =	vld [tilespmem:s26+$0xFFFFFFF0]  }
0xe5: {  	v17 =	vld.idx.msk [tilespmem:v8+s3+$0x0], $0xffff  }
0xe6: {  	[tilespmem:v5+s17+$0x0] =	vst.idx.add.f32.msk $0xffff, v11  }
0xe7: {  	v18 =	vand.u32 $0x3FFF, v14;
	[tilespmem:v12+s17+$0x0] =	vst.idx.add.f32.msk $0xffff, v10  }
0xe8: {  	v10 =	vand.u32 $0x3FFF, v15;
	v15 =	vshrl.u32 v15, $0xE;
	[tilespmem:v2+s17+$0x0] =	vst.idx.add.f32.msk $0xffff, v7;
	v2 =	vmov v9  }
0xe9: {  	v19 =	vadd.s32 $0x4E20, v15;
	v20 =	vand.u32 $0x3FFF, v13;
	v21 =	vshrl.u32 v13, $0xE;
	v23 =	vld.idx.msk [tilespmem:v16+s3+$0x0], $0xffff  }
0xea: {  	s24 =	sadd.s32 $0x40, s24;
	v24 =	vadd.s32 $0x2710, v10;
	v25 =	vadd.s32 $0x4E20, v21;
	v8 =	vadd.s32 $0x2710, v20;
	[tilespmem:v1+s17+$0x0] =	vst.idx.add.f32.msk $0xffff, v4;
	v1 =	vmovc v6  }
0xeb: {  	v5 =	vadd.s32 $0x2710, v15;
	v4 =	vshll.u32 v17, $0x10;
	v6 =	vand.u32 $0xFFFF0000, v17;
	v11 =	vld [tilespmem:s24+$0x0]  }
0xec: {  	v12 =	vadd.s32 $0x7530, v15;
	v7 =	vmul.f32 v4, v3;
	v4 =	vmul.f32 v6, v3;
	v17 =	vld.idx.msk [tilespmem:v18+s3+$0x0], $0xffff  }
0xed: {  	v22 =	vshrl.u32 v22, $0xE;
	v9 =	vadd.s32 $0x2710, v21;
	v6 =	vadd.s32 $0x7530, v21;
	v26 =	vld.idx.msk [tilespmem:v10+s3+$0x0], $0xffff  }
0xee: {  	v27 =	vadd.s32 $0x4E20, v22;
	v13 =	vld [tilespmem:s28+$0x1A680]  }
0xef: {  	v16 =	vadd.s32 $0x2710, v16;
	v3 =	vshll.u32 v23, $0x10;
	v20 =	vld.idx.msk [tilespmem:v20+s3+$0x0], $0xffff  }
0xf0: {  	v28 =	vshrl.u32 v14, $0xE;
	v14 =	vand.u32 $0xFFFF0000, v23;
	v10 =	vld [tilespmem:s24+$0xFFFFFFE0];
	v23 =	vmul.f32 v3, v11  }
0xf1: {  	v29 =	vadd.s32 $0x4E20, v28;
	v14 =	vmul.f32 v14, v11;
	v3 =	vld [tilespmem:s24+$0xFFFFFFF0]  }
0xf2: {  	v18 =	vadd.s32 $0x2710, v18;
	v30 =	vshll.u32 v17, $0x10;
	[tilespmem:v22+s17+$0x0] =	vst.idx.add.f32.msk $0xffff, v23  }
0xf3: {  	v17 =	vand.u32 $0xFFFF0000, v17;
	v23 =	vmul.f32 v30, v13;
	v30 =	vshll.u32 v26, $0x10;
	[tilespmem:v27+s17+$0x0] =	vst.idx.add.f32.msk $0xffff, v14  }
0xf4: {  	v14 =	vmul.f32 v17, v13;
	v17 =	vand.u32 $0xFFFF0000, v26;
	v26 =	vld.idx.msk [tilespmem:v16+s3+$0x0], $0xffff  }
0xf5: {  	[tilespmem:v28+s17+$0x0] =	vst.idx.add.f32.msk $0xffff, v23;
	v16 =	vmul.f32 v30, v10;
	v23 =	vshll.u32 v20, $0x10;
	v20 =	vand.u32 $0xFFFF0000, v20  }
0xf6: {  	v17 =	vmul.f32 v17, v10;
	[tilespmem:v29+s17+$0x0] =	vst.idx.add.f32.msk $0xffff, v14;
	v23 =	vmul.f32 v23, v3  }
0xf7: {  	v20 =	vmul.f32 v20, v3;
	v14 =	vld.idx.msk [tilespmem:v18+s3+$0x0], $0xffff  }
.Ltmp3:
0xf8: {  	[tilespmem:v15+s17+$0x0] =	vst.idx.add.f32.msk $0xffff, v16;
	(pc) =	sbr.rel @p0 .LBB2_8-.Ltmp3, $4  }
0xf9: {  	[tilespmem:v19+s17+$0x0] =	vst.idx.add.f32.msk $0xffff, v17;
	v19 =	vadd.s32 $0x2710, v22  }
0xfa: {  	v18 =	vadd.s32 $0x7530, v22;
	[tilespmem:v21+s17+$0x0] =	vst.idx.add.f32.msk $0xffff, v23  }
0xfb: {  	v15 =	vadd.s32 $0x2710, v28;
	[tilespmem:v25+s17+$0x0] =	vst.idx.add.f32.msk $0xffff, v20;
	v20 =	vshll.u32 v26, $0x10  }
0xfc: {  	s26 =	sadd.s32 $0x40, s26;
	v16 =	vadd.s32 $0x7530, v28;
	v21 =	vand.u32 $0xFFFF0000, v26;
	v17 =	vld.idx.msk [tilespmem:v24+s3+$0x0], $0xffff;
	v20 =	vmul.f32 v20, v11  }
0xfd: {  	_ =	sdelay $0x3  }
0xfe: {  	v8 =	vld.idx.msk [tilespmem:v8+s3+$0x0], $0xffff  }
0xff: {  	s22 =	sadd.s32 $0x3, s22;
	[tilespmem:v2+s17+$0x0] =	vst.idx.add.f32.msk $0xffff, v7  }
0x100: {  	v22 =	vshll.u32 v14, $0x10;
	v11 =	vmul.f32 v21, v11;
	[tilespmem:v19+s17+$0x0] =	vst.idx.add.f32.msk $0xffff, v20;
	s23 =	smulhi.u32 $0x66666667, s22  }
0x101: {  	v57 =	vand.u32 $0xFFFF0000, v14;
	v58 =	vmul.f32 v22, v13;
	[tilespmem:v1+s17+$0x0] =	vst.idx.add.f32.msk $0xffff, v4  }
0x102: {  	v59 =	vmul.f32 v57, v13;
	[tilespmem:v18+s17+$0x0] =	vst.idx.add.f32.msk $0xffff, v11;
	s23 =	sshrl.u32 s23, $0x3;
	v60 =	vshll.u32 v17, $0x10  }
0x103: {  	[tilespmem:v15+s17+$0x0] =	vst.idx.add.f32.msk $0xffff, v58;
	v61 =	vand.u32 $0xFFFF0000, v17;
	s23 =	smul.u32 $0x14, s23;
	v11 =	vmul.f32 v60, v10  }
0x104: {  	[tilespmem:v16+s17+$0x0] =	vst.idx.add.f32.msk $0xffff, v59;
	v62 =	vmul.f32 v61, v10;
	v63 =	vshll.u32 v8, $0x10  }
0x105: {  	s21 =	sadd.s32 $0x1, s21;
	v2 =	vand.u32 $0xFFFF0000, v8;
	s22 =	ssub.s32 s22, s23;
	[tilespmem:v5+s17+$0x0] =	vst.idx.add.f32.msk $0xffff, v11;
	v5 =	vmul.f32 v63, v3  }
0x106: {  	p0 =	sne.s32 s21, $0xA;
	v1 =	vmul.f32 v2, v3;
	s22 =	smul.u32 $0x7D0, s22;
	[tilespmem:v12+s17+$0x0] =	vst.idx.add.f32.msk $0xffff, v62  }
.Ltmp4:
0x107: {  	[tilespmem:v9+s17+$0x0] =	vst.idx.add.f32.msk $0xffff, v5;
	(pc) =	sbr.rel @p0 .LBB2_5-.Ltmp4, $4  }
0x108: {  	s31 =	sadd.s32 s4, s22;
	[tilespmem:v6+s17+$0x0] =	vst.idx.add.f32.msk $0xffff, v1  }
0x109: {  	[tilespmem:s13], [sflag:$0x2] =	stream.linear.gather [hbm4b:s31+s3], $0x3E80, $0x38;
	[tilespmem:$0x1E500] =	vst v63  }
0x10a: {  	s22 =	sadd.s32 s2, s22  }
0x10b: {  	[tilespmem:s14], [sflag:$0x2] =	stream.linear.gather [hbm4b:s22+s3], $0x3E80, $0x38;
	[tilespmem:$0x1E500] =	vst v63  }
0x10c: {  	_ =	swait.ge [sflag:s16], $0x3E80  }
0x10d: {  	[sflag:s16] =	ssyncset.done $0x0  }
0x10e: {  	[sflag:s16] =	ssyncadd.s32 $0xFFFFC180  }
0x10f: {  	_ =	swait.ge [sflag:s16], $0x3E80  }
0x110: {  	[sflag:s16] =	ssyncset.done $0x0  }
0x111: {  	[sflag:s16] =	ssyncadd.s32 $0xFFFFC180  }
0x112: {  	_ =	swait.ge [sflag:s18], $0x3E80  }
0x113: {  	[sflag:s18] =	ssyncset.done $0x0  }
0x114: {  	[sflag:s18] =	ssyncadd.s32 $0xFFFFC180  }
0x115: {  	_ =	swait.ge [sflag:s18], $0x3E80  }
0x116: {  	[sflag:s18] =	ssyncset.done $0x0  }
0x117: {  	[sflag:s18] =	ssyncadd.s32 $0xFFFFC180  }
0x118: {  	[hbm4b:s8+s3] =	stream.linear.scatter [tilespmem:s17], [sflag:$0x3], $0x4E20, $0x38;
	[tilespmem:$0x1E500] =	vst v63  }
0x119: {  	s20 =	sadd.s32 $0x1, s20;
	_ =	swait.ge [sflag:s15], $0x4E20  }
0x11a: {  	p0 =	sne.s32 s20, s10;
	[sflag:s15] =	ssyncset.done $0x0  }
.Ltmp5:
0x11b: {  	[sflag:s15] =	ssyncadd.s32 $0xFFFFB1E0;
	(pc) =	sbr.rel @p0 .LBB2_1-.Ltmp5, $4  }
0x11c: {  	[hbm4b:s9+s3] =	stream.linear.scatter [tilespmem:s19], [sflag:$0x3], $0x4E20, $0x38;
	[tilespmem:$0x1E500] =	vst v63  }
0x11d: {  	_ =	swait.ge [sflag:s15], $0x4E20  }
0x11e: {  	[sflag:s15] =	ssyncset.done $0x0  }
0x11f: {  	[sflag:s15] =	ssyncadd.s32 $0xFFFFB1E0  }
0x120: {  	_ =	sfence.sel $0x180000  }
0x121: {  	[bflag:$0x0] =	sbarrier.arrive $0xFFFF  }
0x122: {  	p0 =	sne.s32 s0, $0x0;
	_ =	strace $0x90000047  }
0x123: {  	s0 =	sadd.s32 @!p0 $0x100000, s1;
	[bflag:$0x2] =	sbarrier.arrive $0xFFFF  }
0x124: {  	[sflag:s0] =	ssyncadd.tile.s32 @!p0 $0x1;
	_ =	shalt  }
.Lfunc_end2:
_tile_overlayer_lowered:
.L_overlay_start_2:
0x125: {  	(tag) =	ssettag $0x2  }
0x126: {  	s0 =	rddreg [dreg:$0x0];
	s2 =	stileid.u32  }
0x127: {  	s1 =	rddreg [dreg:$0x1];
	p0 =	sne.s32 s2, $0x0  }
0x128: {  	s3 =	rddreg [dreg:$0x2];
	[bflag:$0x3] =	sbarrier.arrive $0xFFFF;
	s2 =	simm.s32 @!p0 $0x1C03  }
0x129: {  	[timem:s3], [sflag:s2] =	dma.local @!p0 [hbm:s0], s1  }
0x12a: {  	s0 =	simm.s32 @!p0 $0x3  }
0x12b: {  	_ =	swait.ge @!p0 [sflag:s0], s1  }
0x12c: {  	s1 =	ssub.s32 @!p0 $0x0, s1;
	[sflag:s0] =	ssyncset.done @!p0 $0x0  }
0x12d: {  	[sflag:s0] =	ssyncadd.s32 @!p0 s1  }
0x12e: {  	[bflag:$0x3] =	sbarrier.arrive $0xFFFF  }
0x12f: {  	_ =	shalt  }

</sc_bundles>
